<compile_context>
chip_gen: v7x
topology: tpu7x:2x2x1
jax: 0.10.2.dev20260603
libtpu: 0.0.44.dev20260713+nightly
codegen_flags: <defaults>
</compile_context>

<pallas_src>
import functools

import jax
import jax.numpy as jnp
from jax import lax
from jax.experimental import pallas as pl
from jax.experimental.pallas import tpu as pltpu
from jax.experimental.pallas import tpu_sc as plsc

E = 320000
D = 128
N = 10000

_info = plsc.get_sparse_core_info()
NC, NS, L = _info.num_cores, _info.num_subcores, _info.num_lanes
NT = 8
NEG = 4
P = D // 2 // NT
E_GRP = E // NEG
C_E = 4000
N_CH = E_GRP // C_E
G = C_E // L
R = C_E // L
_MASKHI = -65536


def _pack_body(ht_ref, o_ref):
    x = ht_ref[...]
    u16 = lax.bitcast_convert_type(x.astype(jnp.bfloat16), jnp.uint16)
    u = u16.astype(jnp.int32).reshape(NT * P, 2, N)
    o_ref[...] = (u[:, 0, :] << 16) | u[:, 1, :]


_pack = pl.pallas_call(
    _pack_body,
    out_shape=jax.ShapeDtypeStruct((NT * P, N), jnp.int32),
)


def _make_sc_kernel():
    mesh = plsc.VectorSubcoreMesh(core_axis_name="c", subcore_axis_name="s")

    @functools.partial(
        pl.kernel,
        mesh=mesh,
        out_type=jax.ShapeDtypeStruct((E // L, L), jnp.float32),
        compiler_params=pltpu.CompilerParams(
            needs_layout_passes=False, use_tc_tiling_on_sc=False
        ),
        scratch_types=[
            pltpu.VMEM((P, N), jnp.int32),
            pltpu.VMEM((2, C_E), jnp.int32),
            pltpu.VMEM((2, C_E), jnp.int32),
            pltpu.VMEM((2, R, L), jnp.float32),
            pltpu.VMEM((4, R), jnp.int32),
            pltpu.VMEM_SHARED((4 * R, L), jnp.float32),
            pltpu.SemaphoreType.DMA((2,)),
            pltpu.SemaphoreType.DMA((2,)),
        ],
    )
    def edge_score(hp_hbm, src_hbm, dst_hbm, rows_hbm, out_hbm,
                   table_v, src_idx, dst_idx, partial_v, rows_v, acc_sh,
                   sem_idx, sem_out):
        core = lax.axis_index("c")
        s = lax.axis_index("s")
        t = lax.rem(s, NT)
        leg = s // NT
        eg = core * 2 + leg
        slot = leg * 2
        base = eg * E_GRP

        def start_idx(c, b):
            off = base + c * C_E
            pltpu.async_copy(src_hbm.at[pl.ds(off, C_E)], src_idx.at[b],
                             sem_idx.at[b])
            pltpu.async_copy(dst_hbm.at[pl.ds(off, C_E)], dst_idx.at[b],
                             sem_idx.at[b])

        def wait_idx(c, b):
            off = base + c * C_E
            pltpu.make_async_copy(src_hbm.at[pl.ds(off, C_E)], src_idx.at[b],
                                  sem_idx.at[b]).wait()
            pltpu.make_async_copy(dst_hbm.at[pl.ds(off, C_E)], dst_idx.at[b],
                                  sem_idx.at[b]).wait()

        def out_rows(c):
            return eg * (E_GRP // L) + c * R

        def wait_out(c, b):
            pltpu.make_async_copy(
                acc_sh.at[pl.ds((slot + b) * R, R), :],
                out_hbm.at[pl.ds(out_rows(c), R), :],
                sem_out.at[b]).wait()

        start_idx(0, 0)
        pltpu.sync_copy(rows_hbm, rows_v)
        pltpu.sync_copy(hp_hbm.at[pl.ds(t * P, P), :], table_v)

        def chunk_body(c, carry):
            b = lax.rem(c, 2)
            wait_idx(c, b)

            @pl.when(c + 1 < N_CH)
            def _():
                start_idx(c + 1, 1 - b)

            @plsc.parallel_loop(0, G, unroll=4)
            def group_body(g):
                sv = src_idx[b, pl.ds(g * L, L)]
                dv = dst_idx[b, pl.ds(g * L, L)]
                prods = []
                for p in range(P):
                    pc = jnp.full((L,), p, jnp.int32)
                    ws = plsc.load_gather(table_v, [pc, sv])
                    wd = plsc.load_gather(table_v, [pc, dv])
                    sb = plsc.bitcast(ws, jnp.bfloat16)
                    db = plsc.bitcast(wd, jnp.bfloat16)
                    prods.append(sb * db)
                acc = prods[0] + prods[1]
                for p in range(2, P):
                    acc = acc + prods[p]
                accw = plsc.bitcast(acc, jnp.int32)
                hi = plsc.bitcast(accw & _MASKHI, jnp.float32)
                lo = plsc.bitcast(accw << 16, jnp.float32)
                partial_v[b, g] = hi + lo

            @pl.when(jnp.logical_and(t == 0, c >= 2))
            def _():
                wait_out(c - 2, b)

            @pl.when(t == 0)
            def _():
                pltpu.sync_copy(partial_v.at[b],
                                acc_sh.at[pl.ds((slot + b) * R, R), :])

            plsc.subcore_barrier()

            @pl.when(t > 0)
            def _():
                pltpu.sync_copy(partial_v.at[b],
                                acc_sh.at[rows_v.at[slot + b]], add=True)

            plsc.subcore_barrier()

            @pl.when(t == 0)
            def _():
                pltpu.async_copy(acc_sh.at[pl.ds((slot + b) * R, R), :],
                                 out_hbm.at[pl.ds(out_rows(c), R), :],
                                 sem_out.at[b])
            return carry

        lax.fori_loop(0, N_CH, chunk_body, 0)

        @pl.when(t == 0)
        def _():
            for c in (N_CH - 2, N_CH - 1):
                wait_out(c, c % 2)

    return edge_score


_edge_score = _make_sc_kernel()

import numpy as _np

_ROWS = _np.arange(4 * R, dtype=_np.int32).reshape(4, R)


def kernel(h, edge_index):
    src = edge_index[0].astype(jnp.int32)
    dst = edge_index[1].astype(jnp.int32)
    scores = _edge_score(_pack(h.T), src, dst, _ROWS)
    return scores.reshape(E, 1)

# --- scband reference (transcript-rebuilt; emitter-appended) ---
"""Pipeline reference for scband-score-predictor-61495341744685 (READ-ONLY COPY).

The authoritative reference and input builder live on the scoring server;
editing this copy changes nothing except your own understanding.
"""

import jax, jax.numpy as jnp
import numpy as np


def setup_inputs(seed: int = 0) -> dict:
    key = jax.random.key(seed)
    k1, k2 = jax.random.split(key)
    h = jax.random.normal(k1, (10000, 128), dtype=jnp.float32)
    edge_index = jax.random.randint(k2, (2, 320000), 0, 10000, dtype=jnp.int64)
    return {"h": h, "edge_index": edge_index}


def reference(h, edge_index):
    # DGL ScorePredictor: for every edge (u, v), score = dot(h[u], h[v]).
    # u_dot_v('h','h','score') produces shape [E, 1].
    src = edge_index[0]
    dst = edge_index[1]
    h_src = jnp.take(h, src, axis=0)
    h_dst = jnp.take(h, dst, axis=0)
    score = jnp.sum(h_src * h_dst, axis=-1, keepdims=True)
    return score

if __name__ == "__main__":
    import jax
    _d = setup_inputs()
    print(jax.jit(kernel)(*tuple(_d.values())))

</pallas_src>

<mosaic_0001>
#map = affine_map<(d0, d1) -> (0, 0)>
#map1 = affine_map<(d0, d1) -> (0)>
module attributes {stable_mosaic.version = 14 : i64} {
  func.func @edge_score(%arg0: i32, %arg1: i32, %arg2: memref<64x10000xi32, #tpu.memory_space<hbm>>, %arg3: memref<320000xi32, #tpu.memory_space<hbm>>, %arg4: memref<320000xi32, #tpu.memory_space<hbm>>, %arg5: memref<4x250xi32, #tpu.memory_space<hbm>>, %arg6: memref<20000x16xf32, #tpu.memory_space<hbm>>, %arg7: memref<8x10000xi32, #tpu.memory_space<vmem>>, %arg8: memref<2x4000xi32, #tpu.memory_space<vmem>>, %arg9: memref<2x4000xi32, #tpu.memory_space<vmem>>, %arg10: memref<2x250x16xf32, #tpu.memory_space<vmem>>, %arg11: memref<4x250xi32, #tpu.memory_space<vmem>>, %arg12: memref<1000x16xf32, #tpu.memory_space<vmem_shared>>, %arg13: memref<2x!tpu.dma_semaphore, #tpu.memory_space<semaphore_mem>>, %arg14: memref<2x!tpu.dma_semaphore, #tpu.memory_space<semaphore_mem>>) attributes {dimension_semantics = [#tpu.dimension_semantics<core_parallel>, #tpu.dimension_semantics<subcore_parallel>], iteration_bounds = array<i64: 2, 16>, scalar_prefetch = 0 : i64, scratch_operands = 8 : i64, tpu.core_type = #tpu.core_type<sc_vector_subcore>, window_params = [{transform_indices = #map}, {transform_indices = #map1}, {transform_indices = #map1}, {transform_indices = #map}, {transform_indices = #map}]} {
    %rem3A = arith.constant 8 : i32
    %rem3A_0 = arith.remsi %arg1, %rem3A : i32
    %jit3A = arith.constant 8 : i32
    %div3A = arith.divsi %arg1, %jit3A : i32
    %sign3A = arith.constant 0 : i32
    %sign3A_1 = arith.cmpi sgt, %arg1, %sign3A : i32
    %sign3A_2 = arith.extui %sign3A_1 : i1 to i32
    %sign3A_3 = arith.constant 0 : i32
    %sign3A_4 = arith.cmpi slt, %arg1, %sign3A_3 : i32
    %sign3A_5 = arith.extui %sign3A_4 : i1 to i32
    %sign3A_6 = arith.subi %sign3A_2, %sign3A_5 : i32
    %sign3A_7 = arith.constant 0 : i32
    %sign3A_8 = arith.cmpi sgt, %jit3A, %sign3A_7 : i32
    %sign3A_9 = arith.extui %sign3A_8 : i1 to i32
    %sign3A_10 = arith.constant 0 : i32
    %sign3A_11 = arith.cmpi slt, %jit3A, %sign3A_10 : i32
    %sign3A_12 = arith.extui %sign3A_11 : i1 to i32
    %sign3A_13 = arith.subi %sign3A_9, %sign3A_12 : i32
    %ne3A = arith.cmpi ne, %sign3A_6, %sign3A_13 : i32
    %rem3A_14 = arith.remsi %arg1, %jit3A : i32
    %ne3A_15 = arith.constant 0 : i32
    %ne3A_16 = arith.cmpi ne, %rem3A_14, %ne3A_15 : i32
    %and3A = arith.andi %ne3A, %ne3A_16 : i1
    %sub3A = arith.constant 1 : i32
    %sub3A_17 = arith.subi %div3A, %sub3A : i32
    %select_n3A = arith.select %and3A, %sub3A_17, %div3A : i32
    %mul3A = arith.constant 2 : i32
    %mul3A_18 = arith.muli %arg0, %mul3A : i32
    %add3A = arith.addi %mul3A_18, %select_n3A : i32
    %mul3A_19 = arith.constant 2 : i32
    %mul3A_20 = arith.muli %select_n3A, %mul3A_19 : i32
    %mul3A_21 = arith.constant 80000 : i32
    %mul3A_22 = arith.muli %add3A, %mul3A_21 : i32
    %add3A_23 = arith.constant 0 : i32
    %add3A_24 = arith.addi %mul3A_22, %add3A_23 : i32
    %dma_start3A = arith.constant 0 : i32
    %dma_start3A_25 = arith.constant 0 : i32
    %dma_start3A_26 = arith.constant 0 : i32
    %dma_start3A_27 = tpu.memref_slice %arg8[%dma_start3A, %dma_start3A_26] : memref<2x4000xi32, #tpu.memory_space<vmem>> -> memref<1x4000xi32, #tpu.memory_space<vmem>>
    %dma_start3A_28 = tpu.memref_squeeze %dma_start3A_27 : memref<1x4000xi32, #tpu.memory_space<vmem>> -> memref<4000xi32, #tpu.memory_space<vmem>>
    %dma_start3A_29 = tpu.memref_slice %arg3[%add3A_24] : memref<320000xi32, #tpu.memory_space<hbm>> -> memref<4000xi32, #tpu.memory_space<hbm>>
    %dma_start3A_30 = tpu.memref_slice %arg13[%dma_start3A_25] : memref<2x!tpu.dma_semaphore, #tpu.memory_space<semaphore_mem>> -> memref<1x!tpu.dma_semaphore, #tpu.memory_space<semaphore_mem>>
    %dma_start3A_31 = tpu.memref_squeeze %dma_start3A_30 : memref<1x!tpu.dma_semaphore, #tpu.memory_space<semaphore_mem>> -> memref<!tpu.dma_semaphore, #tpu.memory_space<semaphore_mem>>
    %dma_start3A_32 = arith.constant 0 : i32
    %dma_start3A_33 = tpu.memref_slice %arg8[%dma_start3A, %dma_start3A_32] : memref<2x4000xi32, #tpu.memory_space<vmem>> -> memref<1x4000xi32, #tpu.memory_space<vmem>>
    %dma_start3A_34 = tpu.memref_squeeze %dma_start3A_33 : memref<1x4000xi32, #tpu.memory_space<vmem>> -> memref<4000xi32, #tpu.memory_space<vmem>>
    %dma_start3A_35 = tpu.memref_slice %arg3[%add3A_24] : memref<320000xi32, #tpu.memory_space<hbm>> -> memref<4000xi32, #tpu.memory_space<hbm>>
    tpu.enqueue_dma source(%dma_start3A_35 : memref<4000xi32, #tpu.memory_space<hbm>>) target(%dma_start3A_34 : memref<4000xi32, #tpu.memory_space<vmem>>) target_semaphore(%dma_start3A_31 : memref<!tpu.dma_semaphore, #tpu.memory_space<semaphore_mem>>)
    %dma_start3A_36 = arith.constant 0 : i32
    %dma_start3A_37 = arith.constant 0 : i32
    %dma_start3A_38 = arith.constant 0 : i32
    %dma_start3A_39 = tpu.memref_slice %arg9[%dma_start3A_36, %dma_start3A_38] : memref<2x4000xi32, #tpu.memory_space<vmem>> -> memref<1x4000xi32, #tpu.memory_space<vmem>>
    %dma_start3A_40 = tpu.memref_squeeze %dma_start3A_39 : memref<1x4000xi32, #tpu.memory_space<vmem>> -> memref<4000xi32, #tpu.memory_space<vmem>>
    %dma_start3A_41 = tpu.memref_slice %arg4[%add3A_24] : memref<320000xi32, #tpu.memory_space<hbm>> -> memref<4000xi32, #tpu.memory_space<hbm>>
    %dma_start3A_42 = tpu.memref_slice %arg13[%dma_start3A_37] : memref<2x!tpu.dma_semaphore, #tpu.memory_space<semaphore_mem>> -> memref<1x!tpu.dma_semaphore, #tpu.memory_space<semaphore_mem>>
    %dma_start3A_43 = tpu.memref_squeeze %dma_start3A_42 : memref<1x!tpu.dma_semaphore, #tpu.memory_space<semaphore_mem>> -> memref<!tpu.dma_semaphore, #tpu.memory_space<semaphore_mem>>
    %dma_start3A_44 = arith.constant 0 : i32
    %dma_start3A_45 = tpu.memref_slice %arg9[%dma_start3A_36, %dma_start3A_44] : memref<2x4000xi32, #tpu.memory_space<vmem>> -> memref<1x4000xi32, #tpu.memory_space<vmem>>
    %dma_start3A_46 = tpu.memref_squeeze %dma_start3A_45 : memref<1x4000xi32, #tpu.memory_space<vmem>> -> memref<4000xi32, #tpu.memory_space<vmem>>
    %dma_start3A_47 = tpu.memref_slice %arg4[%add3A_24] : memref<320000xi32, #tpu.memory_space<hbm>> -> memref<4000xi32, #tpu.memory_space<hbm>>
    tpu.enqueue_dma source(%dma_start3A_47 : memref<4000xi32, #tpu.memory_space<hbm>>) target(%dma_start3A_46 : memref<4000xi32, #tpu.memory_space<vmem>>) target_semaphore(%dma_start3A_43 : memref<!tpu.dma_semaphore, #tpu.memory_space<semaphore_mem>>)
    "tpu.region"() ({
      %run_scoped3A = tpu.sem_alloc : memref<!tpu.dma_semaphore, #tpu.memory_space<semaphore_mem>>
      tpu.enqueue_dma source(%arg5 : memref<4x250xi32, #tpu.memory_space<hbm>>) target(%arg11 : memref<4x250xi32, #tpu.memory_space<vmem>>) target_semaphore(%run_scoped3A : memref<!tpu.dma_semaphore, #tpu.memory_space<semaphore_mem>>)
      tpu.wait_dma2 semaphore(%run_scoped3A : memref<!tpu.dma_semaphore, #tpu.memory_space<semaphore_mem>>) src(%arg5 : memref<4x250xi32, #tpu.memory_space<hbm>>) dst(%arg11 : memref<4x250xi32, #tpu.memory_space<vmem>>)
      tpu.yield
    }) : () -> ()
    %mul3A_48 = arith.constant 8 : i32
    %mul3A_49 = arith.muli %rem3A_0, %mul3A_48 : i32
    "tpu.region"() ({
      %run_scoped3A = tpu.sem_alloc : memref<!tpu.dma_semaphore, #tpu.memory_space<semaphore_mem>>
      %dma_start3A_57 = arith.constant 0 : i32
      %dma_start3A_58 = tpu.memref_slice %arg2[%mul3A_49, %dma_start3A_57] : memref<64x10000xi32, #tpu.memory_space<hbm>> -> memref<8x10000xi32, #tpu.memory_space<hbm>>
      %dma_start3A_59 = arith.constant 0 : i32
      %dma_start3A_60 = tpu.memref_slice %arg2[%mul3A_49, %dma_start3A_59] : memref<64x10000xi32, #tpu.memory_space<hbm>> -> memref<8x10000xi32, #tpu.memory_space<hbm>>
      tpu.enqueue_dma source(%dma_start3A_60 : memref<8x10000xi32, #tpu.memory_space<hbm>>) target(%arg7 : memref<8x10000xi32, #tpu.memory_space<vmem>>) target_semaphore(%run_scoped3A : memref<!tpu.dma_semaphore, #tpu.memory_space<semaphore_mem>>)
      %dma_wait3A = arith.constant 0 : i32
      %dma_wait3A_61 = tpu.memref_slice %arg2[%mul3A_49, %dma_wait3A] : memref<64x10000xi32, #tpu.memory_space<hbm>> -> memref<8x10000xi32, #tpu.memory_space<hbm>>
      %dma_wait3A_62 = arith.constant 0 : i32
      %dma_wait3A_63 = tpu.memref_slice %arg2[%mul3A_49, %dma_wait3A_62] : memref<64x10000xi32, #tpu.memory_space<hbm>> -> memref<8x10000xi32, #tpu.memory_space<hbm>>
      tpu.wait_dma2 semaphore(%run_scoped3A : memref<!tpu.dma_semaphore, #tpu.memory_space<semaphore_mem>>) src(%dma_wait3A_63 : memref<8x10000xi32, #tpu.memory_space<hbm>>) dst(%arg7 : memref<8x10000xi32, #tpu.memory_space<vmem>>)
      tpu.yield
    }) : () -> ()
    %scan3A = arith.constant 0 : i32
    %scan3A_50 = arith.constant 0 : i32
    %scan3A_51 = arith.constant 20 : i32
    %scan3A_52 = arith.addi %scan3A_50, %scan3A_51 : i32
    %scan3A_53 = arith.constant 1 : i32
    scf.for %scan3A_57 = %scan3A_50 to %scan3A_52 step %scan3A_53  : i32 {
      %rem3A_58 = arith.constant 2 : i32
      %rem3A_59 = arith.remsi %scan3A_57, %rem3A_58 : i32
      %mul3A_60 = arith.constant 4000 : i32
      %mul3A_61 = arith.muli %scan3A_57, %mul3A_60 : i32
      %add3A_62 = arith.addi %mul3A_22, %mul3A_61 : i32
      %dma_wait3A = arith.constant 0 : i32
      %dma_wait3A_63 = tpu.memref_slice %arg8[%rem3A_59, %dma_wait3A] : memref<2x4000xi32, #tpu.memory_space<vmem>> -> memref<1x4000xi32, #tpu.memory_space<vmem>>
      %dma_wait3A_64 = tpu.memref_squeeze %dma_wait3A_63 : memref<1x4000xi32, #tpu.memory_space<vmem>> -> memref<4000xi32, #tpu.memory_space<vmem>>
      %dma_wait3A_65 = tpu.memref_slice %arg3[%add3A_62] : memref<320000xi32, #tpu.memory_space<hbm>> -> memref<4000xi32, #tpu.memory_space<hbm>>
      %dma_wait3A_66 = tpu.memref_slice %arg13[%rem3A_59] : memref<2x!tpu.dma_semaphore, #tpu.memory_space<semaphore_mem>> -> memref<1x!tpu.dma_semaphore, #tpu.memory_space<semaphore_mem>>
      %dma_wait3A_67 = tpu.memref_squeeze %dma_wait3A_66 : memref<1x!tpu.dma_semaphore, #tpu.memory_space<semaphore_mem>> -> memref<!tpu.dma_semaphore, #tpu.memory_space<semaphore_mem>>
      %dma_wait3A_68 = arith.constant 0 : i32
      %dma_wait3A_69 = tpu.memref_slice %arg8[%rem3A_59, %dma_wait3A_68] : memref<2x4000xi32, #tpu.memory_space<vmem>> -> memref<1x4000xi32, #tpu.memory_space<vmem>>
      %dma_wait3A_70 = tpu.memref_squeeze %dma_wait3A_69 : memref<1x4000xi32, #tpu.memory_space<vmem>> -> memref<4000xi32, #tpu.memory_space<vmem>>
      %dma_wait3A_71 = tpu.memref_slice %arg3[%add3A_62] : memref<320000xi32, #tpu.memory_space<hbm>> -> memref<4000xi32, #tpu.memory_space<hbm>>
      tpu.wait_dma2 semaphore(%dma_wait3A_67 : memref<!tpu.dma_semaphore, #tpu.memory_space<semaphore_mem>>) src(%dma_wait3A_71 : memref<4000xi32, #tpu.memory_space<hbm>>) dst(%dma_wait3A_70 : memref<4000xi32, #tpu.memory_space<vmem>>)
      %dma_wait3A_72 = arith.constant 0 : i32
      %dma_wait3A_73 = tpu.memref_slice %arg9[%rem3A_59, %dma_wait3A_72] : memref<2x4000xi32, #tpu.memory_space<vmem>> -> memref<1x4000xi32, #tpu.memory_space<vmem>>
      %dma_wait3A_74 = tpu.memref_squeeze %dma_wait3A_73 : memref<1x4000xi32, #tpu.memory_space<vmem>> -> memref<4000xi32, #tpu.memory_space<vmem>>
      %dma_wait3A_75 = tpu.memref_slice %arg4[%add3A_62] : memref<320000xi32, #tpu.memory_space<hbm>> -> memref<4000xi32, #tpu.memory_space<hbm>>
      %dma_wait3A_76 = tpu.memref_slice %arg13[%rem3A_59] : memref<2x!tpu.dma_semaphore, #tpu.memory_space<semaphore_mem>> -> memref<1x!tpu.dma_semaphore, #tpu.memory_space<semaphore_mem>>
      %dma_wait3A_77 = tpu.memref_squeeze %dma_wait3A_76 : memref<1x!tpu.dma_semaphore, #tpu.memory_space<semaphore_mem>> -> memref<!tpu.dma_semaphore, #tpu.memory_space<semaphore_mem>>
      %dma_wait3A_78 = arith.constant 0 : i32
      %dma_wait3A_79 = tpu.memref_slice %arg9[%rem3A_59, %dma_wait3A_78] : memref<2x4000xi32, #tpu.memory_space<vmem>> -> memref<1x4000xi32, #tpu.memory_space<vmem>>
      %dma_wait3A_80 = tpu.memref_squeeze %dma_wait3A_79 : memref<1x4000xi32, #tpu.memory_space<vmem>> -> memref<4000xi32, #tpu.memory_space<vmem>>
      %dma_wait3A_81 = tpu.memref_slice %arg4[%add3A_62] : memref<320000xi32, #tpu.memory_space<hbm>> -> memref<4000xi32, #tpu.memory_space<hbm>>
      tpu.wait_dma2 semaphore(%dma_wait3A_77 : memref<!tpu.dma_semaphore, #tpu.memory_space<semaphore_mem>>) src(%dma_wait3A_81 : memref<4000xi32, #tpu.memory_space<hbm>>) dst(%dma_wait3A_80 : memref<4000xi32, #tpu.memory_space<vmem>>)
      %add3A_82 = arith.constant 1 : i32
      %add3A_83 = arith.addi %scan3A_57, %add3A_82 : i32
      %lt3A = arith.constant 20 : i32
      %lt3A_84 = arith.cmpi slt, %add3A_83, %lt3A : i32
      %convert_element_type3A_85 = arith.extui %lt3A_84 : i1 to i32
      %cond3A_86 = arith.constant 0 : i32
      %cond3A_87 = arith.cmpi ne, %convert_element_type3A_85, %cond3A_86 : i32
      scf.if %cond3A_87 {
        %add3A_112 = arith.constant 1 : i32
        %add3A_113 = arith.addi %scan3A_57, %add3A_112 : i32
        %sub3A_114 = arith.constant 1 : i32
        %sub3A_115 = arith.subi %sub3A_114, %rem3A_59 : i32
        %mul3A_116 = arith.constant 4000 : i32
        %mul3A_117 = arith.muli %add3A_113, %mul3A_116 : i32
        %add3A_118 = arith.addi %mul3A_22, %mul3A_117 : i32
        %dma_start3A_119 = arith.constant 0 : i32
        %dma_start3A_120 = tpu.memref_slice %arg8[%sub3A_115, %dma_start3A_119] : memref<2x4000xi32, #tpu.memory_space<vmem>> -> memref<1x4000xi32, #tpu.memory_space<vmem>>
        %dma_start3A_121 = tpu.memref_squeeze %dma_start3A_120 : memref<1x4000xi32, #tpu.memory_space<vmem>> -> memref<4000xi32, #tpu.memory_space<vmem>>
        %dma_start3A_122 = tpu.memref_slice %arg3[%add3A_118] : memref<320000xi32, #tpu.memory_space<hbm>> -> memref<4000xi32, #tpu.memory_space<hbm>>
        %dma_start3A_123 = tpu.memref_slice %arg13[%sub3A_115] : memref<2x!tpu.dma_semaphore, #tpu.memory_space<semaphore_mem>> -> memref<1x!tpu.dma_semaphore, #tpu.memory_space<semaphore_mem>>
        %dma_start3A_124 = tpu.memref_squeeze %dma_start3A_123 : memref<1x!tpu.dma_semaphore, #tpu.memory_space<semaphore_mem>> -> memref<!tpu.dma_semaphore, #tpu.memory_space<semaphore_mem>>
        %dma_start3A_125 = arith.constant 0 : i32
        %dma_start3A_126 = tpu.memref_slice %arg8[%sub3A_115, %dma_start3A_125] : memref<2x4000xi32, #tpu.memory_space<vmem>> -> memref<1x4000xi32, #tpu.memory_space<vmem>>
        %dma_start3A_127 = tpu.memref_squeeze %dma_start3A_126 : memref<1x4000xi32, #tpu.memory_space<vmem>> -> memref<4000xi32, #tpu.memory_space<vmem>>
        %dma_start3A_128 = tpu.memref_slice %arg3[%add3A_118] : memref<320000xi32, #tpu.memory_space<hbm>> -> memref<4000xi32, #tpu.memory_space<hbm>>
        tpu.enqueue_dma source(%dma_start3A_128 : memref<4000xi32, #tpu.memory_space<hbm>>) target(%dma_start3A_127 : memref<4000xi32, #tpu.memory_space<vmem>>) target_semaphore(%dma_start3A_124 : memref<!tpu.dma_semaphore, #tpu.memory_space<semaphore_mem>>)
        %dma_start3A_129 = arith.constant 0 : i32
        %dma_start3A_130 = tpu.memref_slice %arg9[%sub3A_115, %dma_start3A_129] : memref<2x4000xi32, #tpu.memory_space<vmem>> -> memref<1x4000xi32, #tpu.memory_space<vmem>>
        %dma_start3A_131 = tpu.memref_squeeze %dma_start3A_130 : memref<1x4000xi32, #tpu.memory_space<vmem>> -> memref<4000xi32, #tpu.memory_space<vmem>>
        %dma_start3A_132 = tpu.memref_slice %arg4[%add3A_118] : memref<320000xi32, #tpu.memory_space<hbm>> -> memref<4000xi32, #tpu.memory_space<hbm>>
        %dma_start3A_133 = tpu.memref_slice %arg13[%sub3A_115] : memref<2x!tpu.dma_semaphore, #tpu.memory_space<semaphore_mem>> -> memref<1x!tpu.dma_semaphore, #tpu.memory_space<semaphore_mem>>
        %dma_start3A_134 = tpu.memref_squeeze %dma_start3A_133 : memref<1x!tpu.dma_semaphore, #tpu.memory_space<semaphore_mem>> -> memref<!tpu.dma_semaphore, #tpu.memory_space<semaphore_mem>>
        %dma_start3A_135 = arith.constant 0 : i32
        %dma_start3A_136 = tpu.memref_slice %arg9[%sub3A_115, %dma_start3A_135] : memref<2x4000xi32, #tpu.memory_space<vmem>> -> memref<1x4000xi32, #tpu.memory_space<vmem>>
        %dma_start3A_137 = tpu.memref_squeeze %dma_start3A_136 : memref<1x4000xi32, #tpu.memory_space<vmem>> -> memref<4000xi32, #tpu.memory_space<vmem>>
        %dma_start3A_138 = tpu.memref_slice %arg4[%add3A_118] : memref<320000xi32, #tpu.memory_space<hbm>> -> memref<4000xi32, #tpu.memory_space<hbm>>
        tpu.enqueue_dma source(%dma_start3A_138 : memref<4000xi32, #tpu.memory_space<hbm>>) target(%dma_start3A_137 : memref<4000xi32, #tpu.memory_space<vmem>>) target_semaphore(%dma_start3A_134 : memref<!tpu.dma_semaphore, #tpu.memory_space<semaphore_mem>>)
      } else {
      }
      %parallel_loop3A = arith.constant 0 : i32
      %parallel_loop3A_88 = arith.constant 250 : i32
      %parallel_loop3A_89 = arith.constant 1 : i32
      scf.for %parallel_loop3A_112 = %parallel_loop3A to %parallel_loop3A_88 step %parallel_loop3A_89  : i32 {
        %parallel_loop3A_113 = arith.constant 16 : i32
        %parallel_loop3A_114 = arith.muli %parallel_loop3A_112, %parallel_loop3A_113 : i32
        %parallel_loop3A_115 = arith.index_cast %rem3A_59 : i32 to index
        %parallel_loop3A_116 = arith.index_cast %parallel_loop3A_114 : i32 to index
        %parallel_loop3A_117 = tpu.vector_load %arg8[%parallel_loop3A_115, %parallel_loop3A_116] {strides = array<i32>} : memref<2x4000xi32, #tpu.memory_space<vmem>>, vector<16xi32>,
        %parallel_loop3A_118 = arith.constant 16 : i32
        %parallel_loop3A_119 = arith.muli %parallel_loop3A_112, %parallel_loop3A_118 : i32
        %parallel_loop3A_120 = arith.index_cast %rem3A_59 : i32 to index
        %parallel_loop3A_121 = arith.index_cast %parallel_loop3A_119 : i32 to index
        %parallel_loop3A_122 = tpu.vector_load %arg9[%parallel_loop3A_120, %parallel_loop3A_121] {strides = array<i32>} : memref<2x4000xi32, #tpu.memory_space<vmem>>, vector<16xi32>,
        %parallel_loop3A_123 = arith.constant 0 : i32
        %parallel_loop3A_124 = vector.broadcast %parallel_loop3A_123 : i32 to vector<16xi32>
        %parallel_loop3A_125 = tpu.vector_load_idx %arg7[%parallel_loop3A_124, %parallel_loop3A_117] : memref<8x10000xi32, #tpu.memory_space<vmem>>[vector<16xi32>, vector<16xi32>], vector<16xi32>,
        %parallel_loop3A_126 = tpu.vector_load_idx %arg7[%parallel_loop3A_124, %parallel_loop3A_122] : memref<8x10000xi32, #tpu.memory_space<vmem>>[vector<16xi32>, vector<16xi32>], vector<16xi32>,
        %parallel_loop3A_127 = vector.bitcast %parallel_loop3A_125 : vector<16xi32> to vector<32xbf16>
        %parallel_loop3A_128 = vector.bitcast %parallel_loop3A_126 : vector<16xi32> to vector<32xbf16>
        %parallel_loop3A_129 = arith.mulf %parallel_loop3A_127, %parallel_loop3A_128 : vector<32xbf16>
        %parallel_loop3A_130 = arith.constant 1 : i32
        %parallel_loop3A_131 = vector.broadcast %parallel_loop3A_130 : i32 to vector<16xi32>
        %parallel_loop3A_132 = tpu.vector_load_idx %arg7[%parallel_loop3A_131, %parallel_loop3A_117] : memref<8x10000xi32, #tpu.memory_space<vmem>>[vector<16xi32>, vector<16xi32>], vector<16xi32>,
        %parallel_loop3A_133 = tpu.vector_load_idx %arg7[%parallel_loop3A_131, %parallel_loop3A_122] : memref<8x10000xi32, #tpu.memory_space<vmem>>[vector<16xi32>, vector<16xi32>], vector<16xi32>,
        %parallel_loop3A_134 = vector.bitcast %parallel_loop3A_132 : vector<16xi32> to vector<32xbf16>
        %parallel_loop3A_135 = vector.bitcast %parallel_loop3A_133 : vector<16xi32> to vector<32xbf16>
        %parallel_loop3A_136 = arith.mulf %parallel_loop3A_134, %parallel_loop3A_135 : vector<32xbf16>
        %parallel_loop3A_137 = arith.constant 2 : i32
        %parallel_loop3A_138 = vector.broadcast %parallel_loop3A_137 : i32 to vector<16xi32>
        %parallel_loop3A_139 = tpu.vector_load_idx %arg7[%parallel_loop3A_138, %parallel_loop3A_117] : memref<8x10000xi32, #tpu.memory_space<vmem>>[vector<16xi32>, vector<16xi32>], vector<16xi32>,
        %parallel_loop3A_140 = tpu.vector_load_idx %arg7[%parallel_loop3A_138, %parallel_loop3A_122] : memref<8x10000xi32, #tpu.memory_space<vmem>>[vector<16xi32>, vector<16xi32>], vector<16xi32>,
        %parallel_loop3A_141 = vector.bitcast %parallel_loop3A_139 : vector<16xi32> to vector<32xbf16>
        %parallel_loop3A_142 = vector.bitcast %parallel_loop3A_140 : vector<16xi32> to vector<32xbf16>
        %parallel_loop3A_143 = arith.mulf %parallel_loop3A_141, %parallel_loop3A_142 : vector<32xbf16>
        %parallel_loop3A_144 = arith.constant 3 : i32
        %parallel_loop3A_145 = vector.broadcast %parallel_loop3A_144 : i32 to vector<16xi32>
        %parallel_loop3A_146 = tpu.vector_load_idx %arg7[%parallel_loop3A_145, %parallel_loop3A_117] : memref<8x10000xi32, #tpu.memory_space<vmem>>[vector<16xi32>, vector<16xi32>], vector<16xi32>,
        %parallel_loop3A_147 = tpu.vector_load_idx %arg7[%parallel_loop3A_145, %parallel_loop3A_122] : memref<8x10000xi32, #tpu.memory_space<vmem>>[vector<16xi32>, vector<16xi32>], vector<16xi32>,
        %parallel_loop3A_148 = vector.bitcast %parallel_loop3A_146 : vector<16xi32> to vector<32xbf16>
        %parallel_loop3A_149 = vector.bitcast %parallel_loop3A_147 : vector<16xi32> to vector<32xbf16>
        %parallel_loop3A_150 = arith.mulf %parallel_loop3A_148, %parallel_loop3A_149 : vector<32xbf16>
        %parallel_loop3A_151 = arith.constant 4 : i32
        %parallel_loop3A_152 = vector.broadcast %parallel_loop3A_151 : i32 to vector<16xi32>
        %parallel_loop3A_153 = tpu.vector_load_idx %arg7[%parallel_loop3A_152, %parallel_loop3A_117] : memref<8x10000xi32, #tpu.memory_space<vmem>>[vector<16xi32>, vector<16xi32>], vector<16xi32>,
        %parallel_loop3A_154 = tpu.vector_load_idx %arg7[%parallel_loop3A_152, %parallel_loop3A_122] : memref<8x10000xi32, #tpu.memory_space<vmem>>[vector<16xi32>, vector<16xi32>], vector<16xi32>,
        %parallel_loop3A_155 = vector.bitcast %parallel_loop3A_153 : vector<16xi32> to vector<32xbf16>
        %parallel_loop3A_156 = vector.bitcast %parallel_loop3A_154 : vector<16xi32> to vector<32xbf16>
        %parallel_loop3A_157 = arith.mulf %parallel_loop3A_155, %parallel_loop3A_156 : vector<32xbf16>
        %parallel_loop3A_158 = arith.constant 5 : i32
        %parallel_loop3A_159 = vector.broadcast %parallel_loop3A_158 : i32 to vector<16xi32>
        %parallel_loop3A_160 = tpu.vector_load_idx %arg7[%parallel_loop3A_159, %parallel_loop3A_117] : memref<8x10000xi32, #tpu.memory_space<vmem>>[vector<16xi32>, vector<16xi32>], vector<16xi32>,
        %parallel_loop3A_161 = tpu.vector_load_idx %arg7[%parallel_loop3A_159, %parallel_loop3A_122] : memref<8x10000xi32, #tpu.memory_space<vmem>>[vector<16xi32>, vector<16xi32>], vector<16xi32>,
        %parallel_loop3A_162 = vector.bitcast %parallel_loop3A_160 : vector<16xi32> to vector<32xbf16>
        %parallel_loop3A_163 = vector.bitcast %parallel_loop3A_161 : vector<16xi32> to vector<32xbf16>
        %parallel_loop3A_164 = arith.mulf %parallel_loop3A_162, %parallel_loop3A_163 : vector<32xbf16>
        %parallel_loop3A_165 = arith.constant 6 : i32
        %parallel_loop3A_166 = vector.broadcast %parallel_loop3A_165 : i32 to vector<16xi32>
        %parallel_loop3A_167 = tpu.vector_load_idx %arg7[%parallel_loop3A_166, %parallel_loop3A_117] : memref<8x10000xi32, #tpu.memory_space<vmem>>[vector<16xi32>, vector<16xi32>], vector<16xi32>,
        %parallel_loop3A_168 = tpu.vector_load_idx %arg7[%parallel_loop3A_166, %parallel_loop3A_122] : memref<8x10000xi32, #tpu.memory_space<vmem>>[vector<16xi32>, vector<16xi32>], vector<16xi32>,
        %parallel_loop3A_169 = vector.bitcast %parallel_loop3A_167 : vector<16xi32> to vector<32xbf16>
        %parallel_loop3A_170 = vector.bitcast %parallel_loop3A_168 : vector<16xi32> to vector<32xbf16>
        %parallel_loop3A_171 = arith.mulf %parallel_loop3A_169, %parallel_loop3A_170 : vector<32xbf16>
        %parallel_loop3A_172 = arith.constant 7 : i32
        %parallel_loop3A_173 = vector.broadcast %parallel_loop3A_172 : i32 to vector<16xi32>
        %parallel_loop3A_174 = tpu.vector_load_idx %arg7[%parallel_loop3A_173, %parallel_loop3A_117] : memref<8x10000xi32, #tpu.memory_space<vmem>>[vector<16xi32>, vector<16xi32>], vector<16xi32>,
        %parallel_loop3A_175 = tpu.vector_load_idx %arg7[%parallel_loop3A_173, %parallel_loop3A_122] : memref<8x10000xi32, #tpu.memory_space<vmem>>[vector<16xi32>, vector<16xi32>], vector<16xi32>,
        %parallel_loop3A_176 = vector.bitcast %parallel_loop3A_174 : vector<16xi32> to vector<32xbf16>
        %parallel_loop3A_177 = vector.bitcast %parallel_loop3A_175 : vector<16xi32> to vector<32xbf16>
        %parallel_loop3A_178 = arith.mulf %parallel_loop3A_176, %parallel_loop3A_177 : vector<32xbf16>
        %parallel_loop3A_179 = arith.addf %parallel_loop3A_129, %parallel_loop3A_136 : vector<32xbf16>
        %parallel_loop3A_180 = arith.addf %parallel_loop3A_179, %parallel_loop3A_143 : vector<32xbf16>
        %parallel_loop3A_181 = arith.addf %parallel_loop3A_180, %parallel_loop3A_150 : vector<32xbf16>
        %parallel_loop3A_182 = arith.addf %parallel_loop3A_181, %parallel_loop3A_157 : vector<32xbf16>
        %parallel_loop3A_183 = arith.addf %parallel_loop3A_182, %parallel_loop3A_164 : vector<32xbf16>
        %parallel_loop3A_184 = arith.addf %parallel_loop3A_183, %parallel_loop3A_171 : vector<32xbf16>
        %parallel_loop3A_185 = arith.addf %parallel_loop3A_184, %parallel_loop3A_178 : vector<32xbf16>
        %parallel_loop3A_186 = vector.bitcast %parallel_loop3A_185 : vector<32xbf16> to vector<16xi32>
        %parallel_loop3A_187 = arith.constant -65536 : i32
        %parallel_loop3A_188 = vector.broadcast %parallel_loop3A_187 : i32 to vector<16xi32>
        %parallel_loop3A_189 = arith.andi %parallel_loop3A_186, %parallel_loop3A_188 : vector<16xi32>
        %parallel_loop3A_190 = vector.bitcast %parallel_loop3A_189 : vector<16xi32> to vector<16xf32>
        %parallel_loop3A_191 = arith.constant 16 : i32
        %parallel_loop3A_192 = vector.broadcast %parallel_loop3A_191 : i32 to vector<16xi32>
        %parallel_loop3A_193 = arith.shli %parallel_loop3A_186, %parallel_loop3A_192 : vector<16xi32>
        %parallel_loop3A_194 = vector.bitcast %parallel_loop3A_193 : vector<16xi32> to vector<16xf32>
        %parallel_loop3A_195 = arith.addf %parallel_loop3A_190, %parallel_loop3A_194 : vector<16xf32>
        %parallel_loop3A_196 = arith.index_cast %rem3A_59 : i32 to index
        %parallel_loop3A_197 = arith.index_cast %parallel_loop3A_112 : i32 to index
        %parallel_loop3A_198 = arith.constant 0 : index
        %parallel_loop3A_199 = tpu.vector_load %arg10[%parallel_loop3A_196, %parallel_loop3A_197, %parallel_loop3A_198] {strides = array<i32>} : memref<2x250x16xf32, #tpu.memory_space<vmem>>, vector<16xf32>,
        tpu.vector_store %arg10[%parallel_loop3A_196, %parallel_loop3A_197, %parallel_loop3A_198], %parallel_loop3A_195 {strides = array<i32>} : memref<2x250x16xf32, #tpu.memory_space<vmem>>, vector<16xf32>,
      } {sc.loop_unroll_factor = 4 : i64, sc.parallel_access}
      %eq3A_90 = arith.constant 0 : i32
      %eq3A_91 = arith.cmpi eq, %rem3A_0, %eq3A_90 : i32
      %ge3A = arith.constant 2 : i32
      %ge3A_92 = arith.cmpi sge, %scan3A_57, %ge3A : i32
      %and3A_93 = arith.andi %eq3A_91, %ge3A_92 : i1
      %convert_element_type3A_94 = arith.extui %and3A_93 : i1 to i32
      %cond3A_95 = arith.constant 0 : i32
      %cond3A_96 = arith.cmpi ne, %convert_element_type3A_94, %cond3A_95 : i32
      scf.if %cond3A_96 {
        %sub3A_112 = arith.constant 2 : i32
        %sub3A_113 = arith.subi %scan3A_57, %sub3A_112 : i32
        %add3A_114 = arith.addi %mul3A_20, %rem3A_59 : i32
        %mul3A_115 = arith.constant 250 : i32
        %mul3A_116 = arith.muli %add3A_114, %mul3A_115 : i32
        %mul3A_117 = arith.constant 5000 : i32
        %mul3A_118 = arith.muli %add3A, %mul3A_117 : i32
        %mul3A_119 = arith.constant 250 : i32
        %mul3A_120 = arith.muli %sub3A_113, %mul3A_119 : i32
        %add3A_121 = arith.addi %mul3A_118, %mul3A_120 : i32
        %dma_wait3A_122 = tpu.memref_slice %arg14[%rem3A_59] : memref<2x!tpu.dma_semaphore, #tpu.memory_space<semaphore_mem>> -> memref<1x!tpu.dma_semaphore, #tpu.memory_space<semaphore_mem>>
        %dma_wait3A_123 = tpu.memref_squeeze %dma_wait3A_122 : memref<1x!tpu.dma_semaphore, #tpu.memory_space<semaphore_mem>> -> memref<!tpu.dma_semaphore, #tpu.memory_space<semaphore_mem>>
        %dma_wait3A_124 = arith.constant 0 : i32
        %dma_wait3A_125 = tpu.memref_slice %arg6[%add3A_121, %dma_wait3A_124] : memref<20000x16xf32, #tpu.memory_space<hbm>> -> memref<250x16xf32, #tpu.memory_space<hbm>>
        %dma_wait3A_126 = arith.constant 0 : i32
        %dma_wait3A_127 = tpu.memref_slice %arg12[%mul3A_116, %dma_wait3A_126] : memref<1000x16xf32, #tpu.memory_space<vmem_shared>> -> memref<250x16xf32, #tpu.memory_space<vmem_shared>>
        tpu.wait_dma2 semaphore(%dma_wait3A_123 : memref<!tpu.dma_semaphore, #tpu.memory_space<semaphore_mem>>) src(%dma_wait3A_127 : memref<250x16xf32, #tpu.memory_space<vmem_shared>>) dst(%dma_wait3A_125 : memref<250x16xf32, #tpu.memory_space<hbm>>)
      } else {
      }
      %eq3A_97 = arith.constant 0 : i32
      %eq3A_98 = arith.cmpi eq, %rem3A_0, %eq3A_97 : i32
      %convert_element_type3A_99 = arith.extui %eq3A_98 : i1 to i32
      %cond3A_100 = arith.constant 0 : i32
      %cond3A_101 = arith.cmpi ne, %convert_element_type3A_99, %cond3A_100 : i32
      scf.if %cond3A_101 {
        %add3A_112 = arith.addi %mul3A_20, %rem3A_59 : i32
        %mul3A_113 = arith.constant 250 : i32
        %mul3A_114 = arith.muli %add3A_112, %mul3A_113 : i32
        "tpu.region"() ({
          %run_scoped3A = tpu.sem_alloc : memref<!tpu.dma_semaphore, #tpu.memory_space<semaphore_mem>>
          %dma_start3A_115 = arith.constant 0 : i32
          %dma_start3A_116 = arith.constant 0 : i32
          %dma_start3A_117 = tpu.memref_slice %arg10[%rem3A_59, %dma_start3A_115, %dma_start3A_116] : memref<2x250x16xf32, #tpu.memory_space<vmem>> -> memref<1x250x16xf32, #tpu.memory_space<vmem>>
          %dma_start3A_118 = tpu.memref_squeeze %dma_start3A_117 : memref<1x250x16xf32, #tpu.memory_space<vmem>> -> memref<250x16xf32, #tpu.memory_space<vmem>>
          %dma_start3A_119 = arith.constant 0 : i32
          %dma_start3A_120 = tpu.memref_slice %arg12[%mul3A_114, %dma_start3A_119] : memref<1000x16xf32, #tpu.memory_space<vmem_shared>> -> memref<250x16xf32, #tpu.memory_space<vmem_shared>>
          %dma_start3A_121 = arith.constant 0 : i32
          %dma_start3A_122 = tpu.memref_slice %arg12[%mul3A_114, %dma_start3A_121] : memref<1000x16xf32, #tpu.memory_space<vmem_shared>> -> memref<250x16xf32, #tpu.memory_space<vmem_shared>>
          %dma_start3A_123 = arith.constant 0 : i32
          %dma_start3A_124 = arith.constant 0 : i32
          %dma_start3A_125 = tpu.memref_slice %arg10[%rem3A_59, %dma_start3A_123, %dma_start3A_124] : memref<2x250x16xf32, #tpu.memory_space<vmem>> -> memref<1x250x16xf32, #tpu.memory_space<vmem>>
          %dma_start3A_126 = tpu.memref_squeeze %dma_start3A_125 : memref<1x250x16xf32, #tpu.memory_space<vmem>> -> memref<250x16xf32, #tpu.memory_space<vmem>>
          tpu.enqueue_dma source(%dma_start3A_126 : memref<250x16xf32, #tpu.memory_space<vmem>>) target(%dma_start3A_122 : memref<250x16xf32, #tpu.memory_space<vmem_shared>>) target_semaphore(%run_scoped3A : memref<!tpu.dma_semaphore, #tpu.memory_space<semaphore_mem>>)
          %dma_wait3A_127 = arith.constant 0 : i32
          %dma_wait3A_128 = arith.constant 0 : i32
          %dma_wait3A_129 = tpu.memref_slice %arg10[%rem3A_59, %dma_wait3A_127, %dma_wait3A_128] : memref<2x250x16xf32, #tpu.memory_space<vmem>> -> memref<1x250x16xf32, #tpu.memory_space<vmem>>
          %dma_wait3A_130 = tpu.memref_squeeze %dma_wait3A_129 : memref<1x250x16xf32, #tpu.memory_space<vmem>> -> memref<250x16xf32, #tpu.memory_space<vmem>>
          %dma_wait3A_131 = arith.constant 0 : i32
          %dma_wait3A_132 = tpu.memref_slice %arg12[%mul3A_114, %dma_wait3A_131] : memref<1000x16xf32, #tpu.memory_space<vmem_shared>> -> memref<250x16xf32, #tpu.memory_space<vmem_shared>>
          %dma_wait3A_133 = arith.constant 0 : i32
          %dma_wait3A_134 = tpu.memref_slice %arg12[%mul3A_114, %dma_wait3A_133] : memref<1000x16xf32, #tpu.memory_space<vmem_shared>> -> memref<250x16xf32, #tpu.memory_space<vmem_shared>>
          %dma_wait3A_135 = arith.constant 0 : i32
          %dma_wait3A_136 = arith.constant 0 : i32
          %dma_wait3A_137 = tpu.memref_slice %arg10[%rem3A_59, %dma_wait3A_135, %dma_wait3A_136] : memref<2x250x16xf32, #tpu.memory_space<vmem>> -> memref<1x250x16xf32, #tpu.memory_space<vmem>>
          %dma_wait3A_138 = tpu.memref_squeeze %dma_wait3A_137 : memref<1x250x16xf32, #tpu.memory_space<vmem>> -> memref<250x16xf32, #tpu.memory_space<vmem>>
          tpu.wait_dma2 semaphore(%run_scoped3A : memref<!tpu.dma_semaphore, #tpu.memory_space<semaphore_mem>>) src(%dma_wait3A_138 : memref<250x16xf32, #tpu.memory_space<vmem>>) dst(%dma_wait3A_134 : memref<250x16xf32, #tpu.memory_space<vmem_shared>>)
          tpu.yield
        }) : () -> ()
      } else {
      }
      %barrier3A = arith.constant 0 : index
      tpu.barrier barrier_id(%barrier3A)
      %gt3A = arith.constant 0 : i32
      %gt3A_102 = arith.cmpi sgt, %rem3A_0, %gt3A : i32
      %convert_element_type3A_103 = arith.extui %gt3A_102 : i1 to i32
      %cond3A_104 = arith.constant 0 : i32
      %cond3A_105 = arith.cmpi ne, %convert_element_type3A_103, %cond3A_104 : i32
      scf.if %cond3A_105 {
        %add3A_112 = arith.addi %mul3A_20, %rem3A_59 : i32
        "tpu.region"() ({
          %run_scoped3A = tpu.sem_alloc : memref<!tpu.dma_semaphore, #tpu.memory_space<semaphore_mem>>
          %dma_start3A_113 = arith.constant 0 : i32
          %dma_start3A_114 = arith.constant 0 : i32
          %dma_start3A_115 = tpu.memref_slice %arg10[%rem3A_59, %dma_start3A_113, %dma_start3A_114] : memref<2x250x16xf32, #tpu.memory_space<vmem>> -> memref<1x250x16xf32, #tpu.memory_space<vmem>>
          %dma_start3A_116 = tpu.memref_squeeze %dma_start3A_115 : memref<1x250x16xf32, #tpu.memory_space<vmem>> -> memref<250x16xf32, #tpu.memory_space<vmem>>
          %dma_start3A_117 = arith.constant 0 : i32
          %dma_start3A_118 = tpu.memref_slice %arg11[%add3A_112, %dma_start3A_117] : memref<4x250xi32, #tpu.memory_space<vmem>> -> memref<1x250xi32, #tpu.memory_space<vmem>>
          %dma_start3A_119 = tpu.memref_squeeze %dma_start3A_118 : memref<1x250xi32, #tpu.memory_space<vmem>> -> memref<250xi32, #tpu.memory_space<vmem>>
          %dma_start3A_120 = arith.constant 0 : i32
          %dma_start3A_121 = arith.constant 0 : i32
          %dma_start3A_122 = tpu.memref_slice %arg12[%dma_start3A_120, %dma_start3A_121] : memref<1000x16xf32, #tpu.memory_space<vmem_shared>> -> memref<1000x16xf32, #tpu.memory_space<vmem_shared>>
          tpu.enqueue_indirect_dma source(%dma_start3A_116 : memref<250x16xf32, #tpu.memory_space<vmem>>) target(%dma_start3A_122 : memref<1000x16xf32, #tpu.memory_space<vmem_shared>>) offsets(%dma_start3A_119 : memref<250xi32, #tpu.memory_space<vmem>>) semaphore(%run_scoped3A : memref<!tpu.dma_semaphore, #tpu.memory_space<semaphore_mem>>) {add = true}
          %dma_wait3A_123 = arith.constant 0 : i32
          %dma_wait3A_124 = arith.constant 0 : i32
          %dma_wait3A_125 = tpu.memref_slice %arg10[%rem3A_59, %dma_wait3A_123, %dma_wait3A_124] : memref<2x250x16xf32, #tpu.memory_space<vmem>> -> memref<1x250x16xf32, #tpu.memory_space<vmem>>
          %dma_wait3A_126 = tpu.memref_squeeze %dma_wait3A_125 : memref<1x250x16xf32, #tpu.memory_space<vmem>> -> memref<250x16xf32, #tpu.memory_space<vmem>>
          %dma_wait3A_127 = arith.constant 0 : i32
          %dma_wait3A_128 = tpu.memref_slice %arg11[%add3A_112, %dma_wait3A_127] : memref<4x250xi32, #tpu.memory_space<vmem>> -> memref<1x250xi32, #tpu.memory_space<vmem>>
          %dma_wait3A_129 = tpu.memref_squeeze %dma_wait3A_128 : memref<1x250xi32, #tpu.memory_space<vmem>> -> memref<250xi32, #tpu.memory_space<vmem>>
          %dma_wait3A_130 = arith.constant 0 : i32
          %dma_wait3A_131 = arith.constant 0 : i32
          %dma_wait3A_132 = tpu.memref_slice %arg12[%dma_wait3A_130, %dma_wait3A_131] : memref<1000x16xf32, #tpu.memory_space<vmem_shared>> -> memref<1000x16xf32, #tpu.memory_space<vmem_shared>>
          tpu.wait_indirect_dma semaphore(%run_scoped3A : memref<!tpu.dma_semaphore, #tpu.memory_space<semaphore_mem>>) src(%dma_wait3A_126 : memref<250x16xf32, #tpu.memory_space<vmem>>) dst(%dma_wait3A_132 : memref<1000x16xf32, #tpu.memory_space<vmem_shared>>)
          tpu.yield
        }) : () -> ()
      } else {
      }
      %barrier3A_106 = arith.constant 0 : index
      tpu.barrier barrier_id(%barrier3A_106)
      %eq3A_107 = arith.constant 0 : i32
      %eq3A_108 = arith.cmpi eq, %rem3A_0, %eq3A_107 : i32
      %convert_element_type3A_109 = arith.extui %eq3A_108 : i1 to i32
      %cond3A_110 = arith.constant 0 : i32
      %cond3A_111 = arith.cmpi ne, %convert_element_type3A_109, %cond3A_110 : i32
      scf.if %cond3A_111 {
        %add3A_112 = arith.addi %mul3A_20, %rem3A_59 : i32
        %mul3A_113 = arith.constant 250 : i32
        %mul3A_114 = arith.muli %add3A_112, %mul3A_113 : i32
        %mul3A_115 = arith.constant 5000 : i32
        %mul3A_116 = arith.muli %add3A, %mul3A_115 : i32
        %mul3A_117 = arith.constant 250 : i32
        %mul3A_118 = arith.muli %scan3A_57, %mul3A_117 : i32
        %add3A_119 = arith.addi %mul3A_116, %mul3A_118 : i32
        %dma_start3A_120 = tpu.memref_slice %arg14[%rem3A_59] : memref<2x!tpu.dma_semaphore, #tpu.memory_space<semaphore_mem>> -> memref<1x!tpu.dma_semaphore, #tpu.memory_space<semaphore_mem>>
        %dma_start3A_121 = tpu.memref_squeeze %dma_start3A_120 : memref<1x!tpu.dma_semaphore, #tpu.memory_space<semaphore_mem>> -> memref<!tpu.dma_semaphore, #tpu.memory_space<semaphore_mem>>
        %dma_start3A_122 = arith.constant 0 : i32
        %dma_start3A_123 = tpu.memref_slice %arg6[%add3A_119, %dma_start3A_122] : memref<20000x16xf32, #tpu.memory_space<hbm>> -> memref<250x16xf32, #tpu.memory_space<hbm>>
        %dma_start3A_124 = arith.constant 0 : i32
        %dma_start3A_125 = tpu.memref_slice %arg12[%mul3A_114, %dma_start3A_124] : memref<1000x16xf32, #tpu.memory_space<vmem_shared>> -> memref<250x16xf32, #tpu.memory_space<vmem_shared>>
        tpu.enqueue_dma source(%dma_start3A_125 : memref<250x16xf32, #tpu.memory_space<vmem_shared>>) target(%dma_start3A_123 : memref<250x16xf32, #tpu.memory_space<hbm>>) target_semaphore(%dma_start3A_121 : memref<!tpu.dma_semaphore, #tpu.memory_space<semaphore_mem>>)
      } else {
      }
    }
    %scan3A_54 = arith.constant 20 : i32
    %eq3A = arith.constant 0 : i32
    %eq3A_55 = arith.cmpi eq, %rem3A_0, %eq3A : i32
    %convert_element_type3A = arith.extui %eq3A_55 : i1 to i32
    %cond3A = arith.constant 0 : i32
    %cond3A_56 = arith.cmpi ne, %convert_element_type3A, %cond3A : i32
    scf.if %cond3A_56 {
      %add3A_57 = arith.constant 0 : i32
      %add3A_58 = arith.addi %mul3A_20, %add3A_57 : i32
      %mul3A_59 = arith.constant 250 : i32
      %mul3A_60 = arith.muli %add3A_58, %mul3A_59 : i32
      %mul3A_61 = arith.constant 5000 : i32
      %mul3A_62 = arith.muli %add3A, %mul3A_61 : i32
      %add3A_63 = arith.constant 4500 : i32
      %add3A_64 = arith.addi %mul3A_62, %add3A_63 : i32
      %dma_wait3A = arith.constant 0 : i32
      %dma_wait3A_65 = tpu.memref_slice %arg14[%dma_wait3A] : memref<2x!tpu.dma_semaphore, #tpu.memory_space<semaphore_mem>> -> memref<1x!tpu.dma_semaphore, #tpu.memory_space<semaphore_mem>>
      %dma_wait3A_66 = tpu.memref_squeeze %dma_wait3A_65 : memref<1x!tpu.dma_semaphore, #tpu.memory_space<semaphore_mem>> -> memref<!tpu.dma_semaphore, #tpu.memory_space<semaphore_mem>>
      %dma_wait3A_67 = arith.constant 0 : i32
      %dma_wait3A_68 = tpu.memref_slice %arg6[%add3A_64, %dma_wait3A_67] : memref<20000x16xf32, #tpu.memory_space<hbm>> -> memref<250x16xf32, #tpu.memory_space<hbm>>
      %dma_wait3A_69 = arith.constant 0 : i32
      %dma_wait3A_70 = tpu.memref_slice %arg12[%mul3A_60, %dma_wait3A_69] : memref<1000x16xf32, #tpu.memory_space<vmem_shared>> -> memref<250x16xf32, #tpu.memory_space<vmem_shared>>
      tpu.wait_dma2 semaphore(%dma_wait3A_66 : memref<!tpu.dma_semaphore, #tpu.memory_space<semaphore_mem>>) src(%dma_wait3A_70 : memref<250x16xf32, #tpu.memory_space<vmem_shared>>) dst(%dma_wait3A_68 : memref<250x16xf32, #tpu.memory_space<hbm>>)
      %add3A_71 = arith.constant 1 : i32
      %add3A_72 = arith.addi %mul3A_20, %add3A_71 : i32
      %mul3A_73 = arith.constant 250 : i32
      %mul3A_74 = arith.muli %add3A_72, %mul3A_73 : i32
      %mul3A_75 = arith.constant 5000 : i32
      %mul3A_76 = arith.muli %add3A, %mul3A_75 : i32
      %add3A_77 = arith.constant 4750 : i32
      %add3A_78 = arith.addi %mul3A_76, %add3A_77 : i32
      %dma_wait3A_79 = arith.constant 1 : i32
      %dma_wait3A_80 = tpu.memref_slice %arg14[%dma_wait3A_79] : memref<2x!tpu.dma_semaphore, #tpu.memory_space<semaphore_mem>> -> memref<1x!tpu.dma_semaphore, #tpu.memory_space<semaphore_mem>>
      %dma_wait3A_81 = tpu.memref_squeeze %dma_wait3A_80 : memref<1x!tpu.dma_semaphore, #tpu.memory_space<semaphore_mem>> -> memref<!tpu.dma_semaphore, #tpu.memory_space<semaphore_mem>>
      %dma_wait3A_82 = arith.constant 0 : i32
      %dma_wait3A_83 = tpu.memref_slice %arg6[%add3A_78, %dma_wait3A_82] : memref<20000x16xf32, #tpu.memory_space<hbm>> -> memref<250x16xf32, #tpu.memory_space<hbm>>
      %dma_wait3A_84 = arith.constant 0 : i32
      %dma_wait3A_85 = tpu.memref_slice %arg12[%mul3A_74, %dma_wait3A_84] : memref<1000x16xf32, #tpu.memory_space<vmem_shared>> -> memref<250x16xf32, #tpu.memory_space<vmem_shared>>
      tpu.wait_dma2 semaphore(%dma_wait3A_81 : memref<!tpu.dma_semaphore, #tpu.memory_space<semaphore_mem>>) src(%dma_wait3A_85 : memref<250x16xf32, #tpu.memory_space<vmem_shared>>) dst(%dma_wait3A_83 : memref<250x16xf32, #tpu.memory_space<hbm>>)
    } else {
    }
    return
  }
}

module attributes {stable_mosaic.version = 14 : i64} {
  func.func @_pack_body(%arg0: memref<128x10000xf32, #tpu.memory_space<vmem>>, %arg1: memref<64x10000xi32, #tpu.memory_space<vmem>>) attributes {dimension_semantics = [], scalar_prefetch = 0 : i64, scratch_operands = 0 : i64, tpu.core_type = #tpu.core_type<tc>} {
    %get3A = arith.constant 0 : index
    %get3A_0 = arith.constant 0 : index
    %get3A_1 = vector.load %arg0[%get3A, %get3A_0] : memref<128x10000xf32, #tpu.memory_space<vmem>>, vector<128x10000xf32>
    %convert_element_type3A = arith.truncf %get3A_1 : vector<128x10000xf32> to vector<128x10000xbf16>
    %bitcast_convert_type3A = tpu.bitcast %convert_element_type3A : vector<128x10000xbf16> -> vector<128x10000xi16>
    %convert_element_type3A_2 = arith.extui %bitcast_convert_type3A : vector<128x10000xi16> to vector<128x10000xi32>
    %reshape3A = vector.shape_cast %convert_element_type3A_2 : vector<128x10000xi32> to vector<64x2x10000xi32>
    %slice3A = vector.extract_strided_slice %reshape3A {offsets = [0, 0, 0], sizes = [64, 1, 10000], strides = [1, 1, 1]} : vector<64x2x10000xi32> to vector<64x1x10000xi32>
    %squeeze3A = vector.shape_cast %slice3A : vector<64x1x10000xi32> to vector<64x10000xi32>
    %shift_left3A = arith.constant 16 : i32
    %shift_left3A_3 = vector.broadcast %shift_left3A : i32 to vector<64x10000xi32>
    %shift_left3A_4 = arith.shli %squeeze3A, %shift_left3A_3 : vector<64x10000xi32>
    %slice3A_5 = vector.extract_strided_slice %reshape3A {offsets = [0, 1, 0], sizes = [64, 1, 10000], strides = [1, 1, 1]} : vector<64x2x10000xi32> to vector<64x1x10000xi32>
    %squeeze3A_6 = vector.shape_cast %slice3A_5 : vector<64x1x10000xi32> to vector<64x10000xi32>
    %or3A = arith.ori %shift_left3A_4, %squeeze3A_6 : vector<64x10000xi32>
    %swap3A = arith.constant 0 : index
    %swap3A_7 = arith.constant 0 : index
    %swap3A_8 = vector.load %arg1[%swap3A, %swap3A_7] : memref<64x10000xi32, #tpu.memory_space<vmem>>, vector<64x10000xi32>
    tpu.vector_store %arg1[%swap3A, %swap3A_7], %or3A {strides = array<i32>} : memref<64x10000xi32, #tpu.memory_space<vmem>>, vector<64x10000xi32>,
    return
  }
}

</mosaic_0001>

<sc_bundles>
// kernel: kernel.4.cloned.1.call-start
scs
__scs_entry_jumppad:
0x0: {  	(pc) =	sbr.rel $0x88, $3  }
0x1: {  	(tag) =	ssettag $0x0;
	lr =	simm.s32 $0x1  }
0x2: {  	[smem:$0x3F9F] =	sst lr;
	_ =	strace $0xD0000000  }
0x3: {  	_ = 	snop  }
0x4: {  	_ = 	snop  }
0x5: {  	_ = 	snop  }
0x6: {  	_ = 	snop  }
0x7: {  	_ = 	snop  }
__scs_overlays_trampoline_lowered:
0x8: {  	[smem:$0x3FAE] =	sst s0  }
0x9: {  	[smem:$0x3FAF] =	sst s1  }
0xa: {  	[smem:$0x3FB0] =	sst s2  }
0xb: {  	[smem:$0x3FB1] =	sst s3  }
0xc: {  	[smem:$0x3FB2] =	sst s4  }
0xd: {  	[smem:$0x3FB3] =	sst s5  }
0xe: {  	[smem:$0x3FB4] =	sst s6  }
0xf: {  	[smem:$0x3FB5] =	sst s7  }
0x10: {  	[smem:$0x3FB6] =	sst s8  }
0x11: {  	[smem:$0x3FB7] =	sst s9;
	s0 =	simm.s32 @!p0 $0x0  }
0x12: {  	s1 =	sld [smem:$0x3F9D];
	s0 =	simm.s32 @p0 $0x1  }
0x13: {  	[smem:$0x3FB8] =	sst s0;
	s0 =	simm.s32 @!p1 $0x0  }
0x14: {  	s2 =	sld [smem:$0x3F9C];
	s0 =	simm.s32 @p1 $0x1  }
0x15: {  	[smem:$0x3FB9] =	sst s0;
	s0 =	simm.s32 @!p2 $0x0  }
0x16: {  	s3 =	sld [smem:$0x3FDB];
	s0 =	simm.s32 @p2 $0x1  }
0x17: {  	s4 =	simm.s32 $0x1BF5;
	[smem:$0x3FBB] =	sst s0  }
0x18: {  	s0 =	sld [smem:$0x3F9E];
	_ =	swait.ge [sflag:s4], $0x0  }
0x19: {  	s7 =	sld [smem:$0x3F9F]  }
0x1a: {  	s8 =	sadd.s32 $0xFFFFE003, lr  }
0x1b: {  	s9 =	sadd.s32 $0xFFFFFEF7, lr;
	s5 =	simm.s32 $0xFFFFFFFF;
	p2 =	slt.u32 s8, $0xFFFFF086  }
0x1c: {  	p1 =	slt.u32 s9, $0xF7A;
	s5 =	simm.s32 @!p2 $0x0  }
0x1d: {  	s5 =	simm.s32 @p1 $0x1;
	p0 =	seq.s32 s7, s2  }
0x1e: {  	s7 =	smul.u32 @!p0 $0xF7A, s2;
	p2 =	seq.s32 @!p0 s5, $0x0  }
0x1f: {  	s9 =	smul.u32 $0xF7A, s1;
	s8 =	simm.s32 @!p0 $0x1BF5;
	p2 =	por !p2, p0  }
0x20: {  	[sflag:s8] =	ssyncset.s32 @!p0 $0xFFFFF086;
	s6 =	sadd.s32 @!p0 s3, s7;
	s7 =	simm.s32 @!p0 $0x108  }
0x21: {  	s3 =	sadd.s32 s3, s9;
	s6 =	sadd.s32 @!p0 $0x88, s6;
	s7 =	simm.s32 @p2 $0x1082  }
0x22: {  	[simem:s7], [sflag:s8] =	dma.local @!p0 [hbm:s6], $0xF7A  }
0x23: {  	s9 =	sor.u32 $0xD0000000, s2;
	s6 =	simm.s32 $0x108;
	_ =	swait.ge @!p0 [sflag:s8], $0x0  }
0x24: {  	s3 =	sadd.s32 $0x88, s3;
	s6 =	simm.s32 @!p1 $0x1082;
	[sflag:s4] =	ssyncset.s32 $0xFFFFF086  }
0x25: {  	[simem:s6], [sflag:s4] =	dma.local [hbm:s3], $0xF7A  }
0x26: {  	[smem:$0x3F9F] =	sst s1;
	(tag) =	ssettag s2;
	_ =	strace s9  }
0x27: {  	s1 =	sld [smem:$0x3FAF]  }
0x28: {  	s2 =	sld [smem:$0x3FB0]  }
0x29: {  	s4 =	sld [smem:$0x3FB2]  }
0x2a: {  	p0 =	seq.s32 s5, $0x0;
	s5 =	sld [smem:$0x3FB3]  }
0x2b: {  	s6 =	sld [smem:$0x3FB4]  }
0x2c: {  	s7 =	sld [smem:$0x3FB5]  }
0x2d: {  	s3 =	simm.s32 $0x108;
	s8 =	sld [smem:$0x3FB6]  }
0x2e: {  	s3 =	simm.s32 @!p0 $0x1082;
	s9 =	sld [smem:$0x3FB7]  }
0x2f: {  	lr =	sadd.s32 s0, s3;
	s0 =	sld [smem:$0x3FAE]  }
0x30: {  	s3 =	sld [smem:$0x3FB1]  }
0x31: {  	[smem:$0x3FBA] =	sst s10  }
0x32: {  	s10 =	sld [smem:$0x3FB8];
	_ =	sdelay $0x3  }
0x33: {  	p0 =	seq.s32 s10, $0x1;
	s10 =	sld [smem:$0x3FBA];
	_ =	sdelay $0x3  }
0x34: {  	[smem:$0x3FBA] =	sst s10  }
0x35: {  	s10 =	sld [smem:$0x3FB9];
	_ =	sdelay $0x3  }
0x36: {  	p1 =	seq.s32 s10, $0x1;
	s10 =	sld [smem:$0x3FBA];
	_ =	sdelay $0x3  }
0x37: {  	[smem:$0x3FBA] =	sst s10  }
0x38: {  	s10 =	sld [smem:$0x3FBB]  }
0x39: {  	_ = 	snop;
	(pc) =	sbr.ind lr, $3  }
0x3a: {  	_ = 	snop  }
0x3b: {  	_ = 	snop  }
0x3c: {  	p2 =	seq.s32 s10, $0x1;
	s10 =	sld [smem:$0x3FBA]  }
0x3d: {  	_ =	shalt  }
0x3e: {  	_ =	shalt  }
0x3f: {  	_ =	shalt  }
0x40: {  	_ =	shalt  }
0x41: {  	_ =	shalt  }
0x42: {  	_ =	shalt  }
0x43: {  	_ =	shalt  }
0x44: {  	_ =	shalt  }
0x45: {  	_ =	shalt  }
0x46: {  	_ =	shalt  }
0x47: {  	_ =	shalt  }
0x48: {  	_ =	shalt  }
0x49: {  	_ =	shalt  }
0x4a: {  	_ =	shalt  }
0x4b: {  	_ =	shalt  }
0x4c: {  	_ =	shalt  }
0x4d: {  	_ =	shalt  }
0x4e: {  	_ =	shalt  }
0x4f: {  	_ =	shalt  }
0x50: {  	_ =	shalt  }
0x51: {  	_ =	shalt  }
0x52: {  	_ =	shalt  }
0x53: {  	_ =	shalt  }
0x54: {  	_ =	shalt  }
0x55: {  	_ =	shalt  }
0x56: {  	_ =	shalt  }
0x57: {  	_ =	shalt  }
0x58: {  	_ =	shalt  }
0x59: {  	_ =	shalt  }
0x5a: {  	_ =	shalt  }
0x5b: {  	_ =	shalt  }
0x5c: {  	_ =	shalt  }
0x5d: {  	_ =	shalt  }
0x5e: {  	_ =	shalt  }
0x5f: {  	_ =	shalt  }
0x60: {  	_ =	shalt  }
0x61: {  	_ =	shalt  }
0x62: {  	_ =	shalt  }
0x63: {  	_ =	shalt  }
0x64: {  	_ =	shalt  }
0x65: {  	_ =	shalt  }
0x66: {  	_ =	shalt  }
0x67: {  	_ =	shalt  }
0x68: {  	_ =	shalt  }
0x69: {  	_ =	shalt  }
0x6a: {  	_ =	shalt  }
0x6b: {  	_ =	shalt  }
0x6c: {  	_ =	shalt  }
0x6d: {  	_ =	shalt  }
0x6e: {  	_ =	shalt  }
0x6f: {  	_ =	shalt  }
0x70: {  	_ =	shalt  }
0x71: {  	_ =	shalt  }
0x72: {  	_ =	shalt  }
0x73: {  	_ =	shalt  }
0x74: {  	_ =	shalt  }
0x75: {  	_ =	shalt  }
0x76: {  	_ =	shalt  }
0x77: {  	_ =	shalt  }
0x78: {  	_ =	shalt  }
0x79: {  	_ =	shalt  }
0x7a: {  	_ =	shalt  }
0x7b: {  	_ =	shalt  }
0x7c: {  	_ =	shalt  }
0x7d: {  	_ =	shalt  }
0x7e: {  	_ =	shalt  }
0x7f: {  	_ =	shalt  }
0x80: {  	_ =	shalt  }
0x81: {  	_ =	shalt  }
0x82: {  	_ =	shalt  }
0x83: {  	_ =	shalt  }
0x84: {  	_ =	shalt  }
0x85: {  	_ =	shalt  }
0x86: {  	_ =	shalt  }
0x87: {  	_ =	shalt  }
.Lfunc_end0:
.L_simem_size_0:
called_computation_lowered:
.L_overlay_start_0:
0x88: {  	s2 =	sld [smem:$0x3FD9]  }
0x89: {  	s3 =	sld [smem:$0x3FFE];
	_ =	sdelay $0x1  }
0x8a: {  	s1 =	srdreg.scid  }
0x8b: {  	s0 =	sand.u32 $0x1, s1  }
0x8c: {  	s17 =	sshll.u32 s0, $0xA;
	s2 =	sadd.s32 s3, s2  }
0x8d: {  	s2 =	sadd.s32 s2, s17  }
0x8e: {  	[smem:$0x3FC6] =	sst s2  }
0x8f: {  	_ = 	snop  }
0x90: {  	s2 =	sld [smem:$0x3FD0];
	(tm) =	ssettm $0x1  }
0x91: {  	s18 =	sld [smem:$0x3FFB];
	_ =	sdelay $0x3  }
0x92: {  	_ =	strace s18  }
0x93: {  	s3 =	sld [smem:$0x3FFC];
	_ =	sdelay $0x3  }
0x94: {  	_ =	strace s3  }
0x95: {  	s3 =	sld [smem:$0x3FFD];
	_ =	sdelay $0x3  }
0x96: {  	_ =	strace s3  }
0x97: {  	_ =	strace $0x8FFFFFFF  }
0x98: {  	s19 =	sld [smem:$0x3FDB];
	_ =	sdelay $0x1  }
0x99: {  	s4 =	simm.s32 $_scs_section_size  }
0x9a: {  	s5 =	simm.s32 $_size__tile_overlayer_lowered;
	s6 =	simm.s32 $_tile_overlayer_lowered  }
0x9b: {  	s22 =	simm.s32 $0x1BFF;
	s21 =	sshll.u32 s6, $0x1;
	s3 =	sadd.s32 s4, s19  }
0x9c: {  	s7 =	simm.s32 $0x0;
	s20 =	sshll.u32 s5, $0x1;
	s5 =	sadd.s32 s21, s3  }
0x9d: {  	[timem:s7], [sflag:s22] =	dma.local [hbm:s5], s20  }
0x9e: {  	_ =	swait.ge [sflag:s22], s20  }
0x9f: {  	s4 =	ssub.s32 $0x0, s20;
	[sflag:s22] =	ssyncset.done $0x0  }
0xa0: {  	[sflag:s22] =	ssyncadd.s32 s4;
	_ =	sdelay $0x1  }
0xa1: {  	s23 =	simm.s32 $0x1B8B  }
0xa2: {  	_ =	swait.ge [sflag:s23], $0x1  }
0xa3: {  	[sflag:s23] =	ssyncset.done $0x0  }
0xa4: {  	s25 =	simm.s32 $0x1B8E;
	s24 =	sld [smem:$0x3FFE];
	[sflag:s23] =	ssyncadd.s32 $0xFFFFFFFF  }
0xa5: {  	s26 =	simm.s32 $execute0_lowered;
	[smem:$0x3FD2] =	sst s25  }
0xa6: {  	s5 =	sshll.u32 s26, $0x1;
	_ =	strace $0x80000046;
	[dreg:$0x1] =	wrdreg $0xFFFFFFFF  }
0xa7: {  	s28 =	simm.s32 $_size_execute0_lowered;
	s3 =	sadd.s32 s3, s5;
	[dreg:$0x0] =	wrdreg $0x0  }
0xa8: {  	s5 =	sshll.u32 s28, $0x1;
	[dreg:$0x2] =	wrdreg s3  }
0xa9: {  	[dreg:$0x3] =	wrdreg s5  }
0xaa: {  	[dreg:$0x4] =	wrdreg $0xC0  }
0xab: {  	_ =	task [dreg:s7], $0x5FFFF  }
0xac: {  	[dreg:$0x1] =	wrdreg $0xFFFFFFFF  }
0xad: {  	[dreg:$0x0] =	wrdreg $0x60  }
0xae: {  	[dreg:$0x2] =	wrdreg s24  }
0xaf: {  	[dreg:$0x3] =	wrdreg s2  }
0xb0: {  	[dreg:$0x4] =	wrdreg $0x19A400  }
0xb1: {  	[dreg:$0x5] =	wrdreg $0x9  }
0xb2: {  	_ =	task.clear_ibuf [dreg:s7], $0x6FFFF;
	_ =	strace $0x90000046  }
0xb3: {  	s29 =	simm.s32 $0x9;
	_ =	strace $0x80000048  }
0xb4: {  	_ =	swait.ge [sflag:s29], $0x1  }
0xb5: {  	[sflag:s29] =	ssyncadd.s32 $0xFFFFFFFF  }
0xb6: {  	_ =	strace $0x90000048  }
0xb7: {  	_ =	sfence  }
0xb8: {  	s30 =	sld [smem:$0x0];
	_ =	sdelay $0x2  }
0xb9: {  	s31 =	sshll.u32 s1, $0xD;
	s1 =	sshrl.u32 s1, $0x2  }
0xba: {  	s3 =	sand.u32 $0x4000, s31;
	s1 =	sadd.s32 s1, s30  }
0xbb: {  	s0 =	sor.u32 s3, s0;
	s1 =	sshll.u32 s1, $0x11  }
0xbc: {  	s0 =	sor.u32 s1, s0  }
0xbd: {  	s0 =	sadd.s32 $0x8F2B, s0  }
0xbe: {  	[sflag:s0] =	ssyncadd.remote.s32 $0x1  }
0xbf: {  	_ =	sfence.sel $0xFFFF  }
0xc0: {  	[dreg:$0x0] =	wrdreg $0xFFFFFFFF;
	(pc) =	sbr.abs _section_cstart, $3  }
0xc1: {  	[dreg:$0x1] =	wrdreg $0xFFFFFFFF  }
0xc2: {  	_ =	task.clear_ibuf [dreg:s7], $0x2FFFF;
	_ =	strace $0x9FFFFFFF  }
0xc3: {  	(tm) =	ssettm $0x7FFFFFFF  }
tec
execute0_lowered:
.L_overlay_start_1:
0x0: {  	(tag) =	ssettag $0x1  }
0x1: {  	s0 =	rddreg [dreg:$0x0]  }
0x2: {  	s3 =	rddreg [dreg:$0x2]  }
0x3: {  	s1 =	srdreg.scid;
	s4 =	simm.s32 $0x0;
	s2 =	stileid.u32  }
0x4: {  	s17 =	simm.s32 $0x19640;
	s18 =	simm.s32 $0x5;
	s19 =	simm.s32 $0x3  }
0x5: {  	s20 =	simm.s32 $0x4;
	s21 =	simm.s32 $0xFA;
	s22 =	simm.s32 $0x0  }
0x6: {  	s1 =	sand.u32 $0x1, s1;
	[smem:$0x7FF] =	sst s4;
	s9 =	sshrl.u32 s2, $0x3  }
0x7: {  	s5 =	sadd.s32 $0x1D800, s0;
	s8 =	sadd.s32 $0x27600, s0;
	s15 =	sand.u32 $0x7, s2  }
0x8: {  	s6 =	sshll.u32 s1, $0x1;
	_ =	strace $0x80000047;
	s12 =	smul.u32 $0x2710, s15  }
.Ltmp0:
0x9: {  	s1 =	ssub.s32 $0x2, s1;
	s13 =	sor.u32 s9, s6;
	(pc) =	sbr.rel .LBB2_1-.Ltmp0, $4  }
0xa: {  	p0 =	sne.s32 s15, $0x0;
	s10 =	sshrl.u32 s1, $0x1;
	s7 =	smul.u32 $0x13880, s13  }
0xb: {  	s6 =	sadd.s32 $0x13A00, s0;
	s9 =	sshll.u32 s9, $0x1;
	s1 =	ssub.s32 s1, s10  }
0xc: {  	s12 =	sadd.s32 s0, s12;
	s13 =	smul.u32 $0x1388, s13;
	s11 =	sshrl.u32 s7, $0x3  }
0xd: {  	s14 =	smax.u32 s1, $0x1;
	s10 =	sadd.s32 s5, s11;
	s11 =	sadd.s32 s6, s11  }
.LBB2_12:
0xe: {  	_ =	swait.ge [sflag:s19], $0x1F4  }
0xf: {  	[sflag:s19] =	ssyncset.done $0x0  }
0x10: {  	[sflag:s19] =	ssyncadd.s32 $0xFFFFFE0C  }
0x11: {  	_ =	swait.ge [sflag:s20], $0x1F4  }
0x12: {  	[sflag:s20] =	ssyncset.done $0x0  }
0x13: {  	[sflag:s20] =	ssyncadd.s32 $0xFFFFFE0C  }
.LBB2_13:
0x14: {  	s22 =	sadd.s32 $0x1, s22  }
0x15: {  	p1 =	sne.s32 s22, s14  }
.Ltmp1:
0x16: {  	_ = 	snop;
	(pc) =	sbr.rel @!p1 .LBB2_14-.Ltmp1, $1  }
0x17: {  	_ =	sdelay $0x3  }
.LBB2_1:
0x18: {  	s0 =	simm.s32 $0x13880  }
0x19: {  	[tilespmem:s0], [sflag:$0x1] =	stream.linear.gather [hbm4b:s10+s4], $0xFA0, $0x38;
	[tilespmem:$0x19E28] =	vst v63  }
0x1a: {  	s30 =	simm.s32 $0x157C0  }
0x1b: {  	[tilespmem:s30], [sflag:$0x1] =	stream.linear.gather [hbm4b:s11+s4], $0xFA0, $0x38;
	[tilespmem:$0x19E28] =	vst v63  }
0x1c: {  	s31 =	rddreg [dreg:$0x1]  }
0x1d: {  	[tilespmem:s17], [sflag:$0x5] =	stream.linear.gather [hbm4b:s31+s4], $0x400, $0x38;
	[tilespmem:$0x19E28] =	vst v63  }
0x1e: {  	_ =	swait.ge [sflag:s18], $0x400  }
0x1f: {  	[sflag:s18] =	ssyncset.done $0x0  }
.Ltmp2:
0x20: {  	[sflag:s18] =	ssyncadd.s32 $0xFFFFFC00;
	(pc) =	sbr.rel .LBB2_2-.Ltmp2, $4  }
0x21: {  	[tilespmem:s4], [sflag:$0x5] =	stream.linear.gather [hbm4b:s12+s4], $0x13880, $0x38;
	[tilespmem:$0x19E28] =	vst v63  }
0x22: {  	_ =	swait.ge [sflag:s18], $0x13880  }
0x23: {  	[sflag:s18] =	ssyncset.done $0x0  }
0x24: {  	p1 =	por $0x0, $0x0;
	s25 =	simm.s32 $0x0;
	[sflag:s18] =	ssyncadd.s32 $0xFFFEC780  }
.LBB2_8:
.Ltmp3:
0x25: {  	(pc) =	sbr.rel @!p0 .LBB2_9-.Ltmp3, $1  }
0x26: {  	_ =	sdelay $0x3  }
0x27: {  	s0 =	smul.u32 $0x3E80, s24  }
0x28: {  	s1 =	sor.u32 s9, s24  }
0x29: {  	[bflag:$0x0] =	sbarrier.arrive $0xFFFF;
	s1 =	sshll.u32 s1, $0x8;
	s0 =	sshrl.u32 s0, $0x2  }
0x2a: {  	p2 =	seq.s32 s23, $0x14;
	s1 =	sadd.s32 $0x19640, s1;
	s0 =	sadd.s32 $0x17700, s0  }
0x2b: {  	[spmem:s3] =	stream.indirect.scatter.add.f32 [tilespmem:s0], [sflag:$0x5], $0x10, s1, s21, $0xb8;
	[tilespmem:$0x19E28] =	vst v63  }
.Ltmp4:
0x2c: {  	_ =	swait.ge [sflag:s18], $0xFA0;
	(pc) =	sbr.rel @p2 .LBB2_13-.Ltmp4, $3  }
0x2d: {  	[sflag:s18] =	ssyncset.done $0x0  }
0x2e: {  	[sflag:s18] =	ssyncadd.s32 $0xFFFFF060  }
0x2f: {  	[bflag:$0x0] =	sbarrier.arrive $0xFFFF;
	_ =	sdelay $0x1  }
.LBB2_10:
0x30: {  	p1 =	por !p1, !p1;
	s25 =	smov.u32 s23  }
.LBB2_2:
0x31: {  	s24 =	sand.u32 $0x1, s25  }
0x32: {  	s0 =	simm.s32 $0x1;
	s15 =	sadd.s32 $0x1, s24  }
0x33: {  	s23 =	sadd.s32 $0x1, s25;
	s0 =	simm.s32 @!p1 $0x0;
	_ =	swait.ge [sflag:s15], $0xFA0  }
0x34: {  	p2 =	seq.s32 s25, $0x13;
	s0 =	smul.u32 $0x3E80, s0;
	[sflag:s15] =	ssyncset.done $0x0  }
0x35: {  	s16 =	smul.u32 @!p2 $0xFA0, s23;
	[sflag:s15] =	ssyncadd.s32 $0xFFFFF060  }
0x36: {  	s1 =	sshrl.u32 s0, $0x2;
	s0 =	sxor.u32 @!p2 $0x1, s24;
	_ =	swait.ge [sflag:s15], $0xFA0  }
0x37: {  	s16 =	sadd.s32 @!p2 s7, s16;
	s26 =	smul.u32 @!p2 $0xFA0, s0;
	[sflag:s15] =	ssyncset.done $0x0  }
0x38: {  	s29 =	simm.s32 @!p2 $0x0;
	[sflag:s15] =	ssyncadd.s32 $0xFFFFF060;
	s15 =	sshrl.u32 @!p2 s16, $0x3  }
0x39: {  	s0 =	sadd.s32 @!p2 $0x1, s0;
	s16 =	sadd.s32 @!p2 $0x13880, s26;
	s28 =	sadd.s32 @!p2 s5, s15  }
0x3a: {  	[tilespmem:s16], [sflag:s0] =	stream.linear.gather @!p2 [hbm4b:s28+s29], $0xFA0, $0x38;
	[tilespmem:$0x19E28] =	vst v63  }
0x3b: {  	s26 =	sadd.s32 @!p2 $0x157C0, s26;
	s15 =	sadd.s32 @!p2 s6, s15;
	s16 =	sadd.s32 $0x138A0, s1  }
0x3c: {  	[tilespmem:s26], [sflag:s0] =	stream.linear.gather @!p2 [hbm4b:s15+s29], $0xFA0, $0x38;
	[tilespmem:$0x19E28] =	vst v63  }
0x3d: {  	s28 =	sadd.s32 $0x157E0, s1;
	v0 =	vld [tilespmem:s16+$0x10]  }
0x3e: {  	v1 =	vld [tilespmem:s28+$0x10]  }
0x3f: {  	v9 =	vld [tilespmem:s16+$0xFFFFFFE0]  }
0x40: {  	v2 =	vld [tilespmem:s28+$0xFFFFFFE0]  }
0x41: {  	v3 =	vld [tilespmem:s16+$0xFFFFFFF0]  }
0x42: {  	v4 =	vld [tilespmem:s28+$0xFFFFFFF0]  }
0x43: {  	v5 =	vld [tilespmem:s16+$0x0]  }
0x44: {  	s26 =	simm.s32 $0x0;
	v7 =	vld [tilespmem:s28+$0x0]  }
0x45: {  	v11 =	vld.idx.msk [tilespmem:v0+s26+$0x0], $0xffff  }
0x46: {  	v13 =	vld.idx.msk [tilespmem:v1+s26+$0x0], $0xffff  }
0x47: {  	v28 =	vld.idx.msk [tilespmem:v9+s26+$0x0], $0xffff  }
0x48: {  	v6 =	vadd.s32 $0x2710, v0;
	v30 =	vld.idx.msk [tilespmem:v2+s26+$0x0], $0xffff  }
0x49: {  	v8 =	vadd.s32 $0x2710, v1;
	v32 =	vld.idx.msk [tilespmem:v3+s26+$0x0], $0xffff  }
0x4a: {  	v10 =	vadd.s32 $0x4E20, v0;
	v34 =	vld.idx.msk [tilespmem:v4+s26+$0x0], $0xffff  }
0x4b: {  	v12 =	vadd.s32 $0x4E20, v1;
	v36 =	vld.idx.msk [tilespmem:v5+s26+$0x0], $0xffff  }
0x4c: {  	v14 =	vadd.s32 $0x7530, v0;
	v38 =	vld.idx.msk [tilespmem:v7+s26+$0x0], $0xffff  }
0x4d: {  	v15 =	vadd.s32 $0x7530, v1;
	v6 =	vld.idx.msk [tilespmem:v6+s26+$0x0], $0xffff  }
0x4e: {  	v16 =	vadd.s32 $0x9C40, v0;
	v8 =	vld.idx.msk [tilespmem:v8+s26+$0x0], $0xffff  }
0x4f: {  	v17 =	vadd.s32 $0x9C40, v1;
	v10 =	vld.idx.msk [tilespmem:v10+s26+$0x0], $0xffff  }
0x50: {  	v18 =	vadd.s32 $0xC350, v0;
	v12 =	vld.idx.msk [tilespmem:v12+s26+$0x0], $0xffff  }
0x51: {  	v19 =	vadd.s32 $0xC350, v1;
	v14 =	vld.idx.msk [tilespmem:v14+s26+$0x0], $0xffff  }
0x52: {  	v20 =	vadd.s32 $0xEA60, v0;
	v15 =	vld.idx.msk [tilespmem:v15+s26+$0x0], $0xffff  }
0x53: {  	v21 =	vadd.s32 $0xEA60, v1;
	v16 =	vld.idx.msk [tilespmem:v16+s26+$0x0], $0xffff  }
0x54: {  	v22 =	vadd.s32 $0x2710, v9;
	v17 =	vld.idx.msk [tilespmem:v17+s26+$0x0], $0xffff  }
0x55: {  	v23 =	vadd.s32 $0x2710, v2;
	v18 =	vld.idx.msk [tilespmem:v18+s26+$0x0], $0xffff  }
0x56: {  	v24 =	vadd.s32 $0x2710, v3;
	v19 =	vld.idx.msk [tilespmem:v19+s26+$0x0], $0xffff  }
0x57: {  	v25 =	vadd.s32 $0x2710, v4;
	v20 =	vld.idx.msk [tilespmem:v20+s26+$0x0], $0xffff  }
0x58: {  	v26 =	vadd.s32 $0x2710, v5;
	v21 =	vld.idx.msk [tilespmem:v21+s26+$0x0], $0xffff  }
0x59: {  	v27 =	vadd.s32 $0x2710, v7;
	v22 =	vld.idx.msk [tilespmem:v22+s26+$0x0], $0xffff  }
0x5a: {  	v29 =	vadd.s32 $0x4E20, v9;
	v23 =	vld.idx.msk [tilespmem:v23+s26+$0x0], $0xffff  }
0x5b: {  	v31 =	vadd.s32 $0x4E20, v2;
	v24 =	vld.idx.msk [tilespmem:v24+s26+$0x0], $0xffff  }
0x5c: {  	v33 =	vadd.s32 $0x4E20, v3;
	v25 =	vld.idx.msk [tilespmem:v25+s26+$0x0], $0xffff  }
0x5d: {  	v35 =	vadd.s32 $0x4E20, v4;
	v26 =	vld.idx.msk [tilespmem:v26+s26+$0x0], $0xffff  }
0x5e: {  	v37 =	vadd.s32 $0x4E20, v5;
	v27 =	vld.idx.msk [tilespmem:v27+s26+$0x0], $0xffff  }
0x5f: {  	v39 =	vadd.s32 $0x4E20, v7;
	v29 =	vld.idx.msk [tilespmem:v29+s26+$0x0], $0xffff  }
0x60: {  	v40 =	vadd.s32 $0x7530, v9;
	v31 =	vld.idx.msk [tilespmem:v31+s26+$0x0], $0xffff  }
0x61: {  	v41 =	vadd.s32 $0x7530, v2;
	v33 =	vld.idx.msk [tilespmem:v33+s26+$0x0], $0xffff  }
0x62: {  	v45 =	vadd.s32 $0x7530, v7;
	v35 =	vld.idx.msk [tilespmem:v35+s26+$0x0], $0xffff  }
0x63: {  	v47 =	vadd.s32 $0x9C40, v2;
	v37 =	vld.idx.msk [tilespmem:v37+s26+$0x0], $0xffff  }
0x64: {  	v48 =	vadd.s32 $0x9C40, v7;
	v39 =	vld.idx.msk [tilespmem:v39+s26+$0x0], $0xffff  }
0x65: {  	v50 =	vadd.s32 $0xC350, v5;
	v40 =	vld.idx.msk [tilespmem:v40+s26+$0x0], $0xffff  }
0x66: {  	v0 =	vadd.s32 $0x11170, v0;
	v41 =	vld.idx.msk [tilespmem:v41+s26+$0x0], $0xffff  }
0x67: {  	v1 =	vadd.s32 $0x11170, v1;
	v45 =	vld.idx.msk [tilespmem:v45+s26+$0x0], $0xffff  }
0x68: {  	v62 =	vadd.s32 $0x9C40, v3;
	v47 =	vld.idx.msk [tilespmem:v47+s26+$0x0], $0xffff  }
0x69: {  	v55 =	vadd.s32 $0xC350, v9;
	v56 =	vadd.s32 $0xC350, v2;
	v51 =	vadd.s32 $0xEA60, v2;
	v48 =	vld.idx.msk [tilespmem:v48+s26+$0x0], $0xffff  }
0x6a: {  	v2 =	vadd.s32 $0x11170, v2;
	v52 =	vld.idx.msk [tilespmem:v50+s26+$0x0], $0xffff;
	v11 =	vmul.bf16 v13, v11;
	v6 =	vmul.bf16 v8, v6  }
0x6b: {  	v42 =	vadd.s32 $0x7530, v3;
	v0 =	vld.idx.msk [tilespmem:v0+s26+$0x0], $0xffff  }
0x6c: {  	v43 =	vadd.s32 $0x7530, v4;
	v1 =	vld.idx.msk [tilespmem:v1+s26+$0x0], $0xffff;
	v10 =	vmul.bf16 v12, v10;
	v6 =	vadd.bf16 v6, v11  }
0x6d: {  	v44 =	vadd.s32 $0x7530, v5;
	v63 =	vadd.s32 $0x9C40, v4;
	v13 =	vld.idx.msk [tilespmem:v62+s26+$0x0], $0xffff  }
0x6e: {  	v54 =	vadd.s32 $0x9C40, v5;
	v62 =	vld.idx.msk [tilespmem:v55+s26+$0x0], $0xffff;
	v14 =	vmul.bf16 v15, v14;
	v6 =	vadd.bf16 v10, v6  }
0x6f: {  	v46 =	vadd.s32 $0x9C40, v9;
	v57 =	vadd.s32 $0xC350, v3;
	v49 =	vadd.s32 $0xC350, v4;
	v2 =	vld.idx.msk [tilespmem:v2+s26+$0x0], $0xffff  }
0x70: {  	v59 =	vadd.s32 $0xEA60, v9;
	v8 =	vld.idx.msk [tilespmem:v42+s26+$0x0], $0xffff;
	v16 =	vmul.bf16 v17, v16;
	v6 =	vadd.bf16 v14, v6  }
0x71: {  	v58 =	vadd.s32 $0xC350, v7;
	v60 =	vadd.s32 $0xEA60, v4;
	v61 =	vadd.s32 $0xEA60, v5;
	v42 =	vld.idx.msk [tilespmem:v43+s26+$0x0], $0xffff  }
0x72: {  	v9 =	vadd.s32 $0x11170, v9;
	v43 =	vld.idx.msk [tilespmem:v63+s26+$0x0], $0xffff;
	v18 =	vmul.bf16 v19, v18;
	v6 =	vadd.bf16 v16, v6  }
0x73: {  	v4 =	vadd.s32 $0x11170, v4;
	v5 =	vadd.s32 $0x11170, v5;
	v30 =	vmul.bf16 v30, v28;
	v12 =	vld.idx.msk [tilespmem:v54+s26+$0x0], $0xffff  }
0x74: {  	v19 =	vadd.s32 $0xEA60, v3;
	v20 =	vmul.bf16 v21, v20;
	v15 =	vld.idx.msk [tilespmem:v56+s26+$0x0], $0xffff;
	v6 =	vadd.bf16 v18, v6  }
0x75: {  	v53 =	vmul.bf16 v38, v36;
	v63 =	vadd.s32 $0xEA60, v7;
	v3 =	vadd.s32 $0x11170, v3;
	v17 =	vld.idx.msk [tilespmem:v59+s26+$0x0], $0xffff  }
0x76: {  	v26 =	vmul.bf16 v27, v26;
	v11 =	vld.idx.msk [tilespmem:v44+s26+$0x0], $0xffff;
	v0 =	vmul.bf16 v1, v0;
	v1 =	vadd.bf16 v20, v6  }
0x77: {  	v54 =	vmul.bf16 v31, v29;
	v10 =	vld.idx.msk [tilespmem:v46+s26+$0x0], $0xffff;
	v20 =	vadd.s32 $0x11170, v7;
	v7 =	vmul.bf16 v23, v22  }
0x78: {  	v46 =	vld.idx.msk [tilespmem:v49+s26+$0x0], $0xffff;
	v49 =	vmul.bf16 v34, v32;
	v0 =	vadd.bf16 v0, v1;
	v1 =	vmul.bf16 v25, v24  }
0x79: {  	v55 =	vmul.bf16 v35, v33;
	v59 =	vmul.bf16 v41, v40;
	v19 =	vld.idx.msk [tilespmem:v19+s26+$0x0], $0xffff;
	v7 =	vadd.bf16 v7, v30  }
0x7a: {  	v6 =	vld.idx.msk [tilespmem:v57+s26+$0x0], $0xffff;
	v22 =	vadd.bf16 v26, v53;
	v57 =	vmul.bf16 v39, v37;
	v1 =	vadd.bf16 v1, v49  }
0x7b: {  	v8 =	vmul.bf16 v42, v8;
	v14 =	vld.idx.msk [tilespmem:v58+s26+$0x0], $0xffff;
	v11 =	vmul.bf16 v45, v11;
	v7 =	vadd.bf16 v54, v7  }
0x7c: {  	v58 =	vld.idx.msk [tilespmem:v51+s26+$0x0], $0xffff;
	v22 =	vadd.bf16 v57, v22;
	v56 =	vand.u32 $0xFFFF0000, v0;
	v1 =	vadd.bf16 v55, v1  }
0x7d: {  	v16 =	vld.idx.msk [tilespmem:v60+s26+$0x0], $0xffff;
	v60 =	vshll.u32 v0, $0x10;
	v0 =	vadd.bf16 v59, v7;
	v7 =	vmul.bf16 v47, v10  }
0x7e: {  	v10 =	vld.idx.msk [tilespmem:v61+s26+$0x0], $0xffff;
	v1 =	vadd.bf16 v8, v1;
	v8 =	vadd.bf16 v11, v22;
	v11 =	vmul.bf16 v43, v13  }
0x7f: {  	v12 =	vmul.bf16 v48, v12;
	v15 =	vmul.bf16 v15, v62;
	v61 =	vld.idx.msk [tilespmem:v63+s26+$0x0], $0xffff;
	v7 =	vadd.bf16 v7, v0  }
0x80: {  	v6 =	vmul.bf16 v46, v6;
	v0 =	vld.idx.msk [tilespmem:v9+s26+$0x0], $0xffff;
	v9 =	vadd.f32 v60, v56;
	v11 =	vadd.bf16 v11, v1  }
0x81: {  	v8 =	vadd.bf16 v12, v8;
	v62 =	vadd.bf16 v15, v7;
	v7 =	vmul.bf16 v14, v52;
	v1 =	vld.idx.msk [tilespmem:v3+s26+$0x0], $0xffff  }
0x82: {  	s0 =	sadd.s32 $0x17720, s1;
	v63 =	vmul.bf16 v16, v19;
	v3 =	vld.idx.msk [tilespmem:v4+s26+$0x0], $0xffff;
	v6 =	vadd.bf16 v6, v11;
	v11 =	vmul.bf16 v58, v17  }
0x83: {  	s30 =	sadd.s32 $0x14800, s1;
	s31 =	sadd.s32 $0x16740, s1;
	s29 =	sadd.s32 $0x18680, s1;
	[tilespmem:s0+$0x10] =	vst v9;
	v4 =	vld.idx.msk [tilespmem:v5+s26+$0x0], $0xffff;
	v7 =	vadd.bf16 v7, v8  }
0x84: {  	s15 =	simm.s32 $0x0;
	s16 =	sadd.s32 $0x40, s16;
	s1 =	smov.u32 s0;
	v5 =	vld.idx.msk [tilespmem:v20+s26+$0x0], $0xffff;
	v9 =	vmul.bf16 v61, v10;
	v8 =	vadd.bf16 v11, v62;
	v6 =	vadd.bf16 v63, v6  }
.LBB2_3:
0x85: {  	v11 =	vld [tilespmem:s16+$0x10];
	s28 =	sadd.s32 $0x40, s28  }
0x86: {  	s15 =	sadd.s32 $0x4, s15;
	v0 =	vmul.bf16 v2, v0;
	v12 =	vld [tilespmem:s28+$0x10];
	v38 =	vadd.bf16 v9, v7  }
0x87: {  	p2 =	slt.u32 s15, $0xF4;
	v16 =	vld [tilespmem:s28+$0xFFFFFFE0]  }
0x88: {  	v0 =	vadd.bf16 v0, v8;
	v1 =	vmul.bf16 v3, v1;
	v10 =	vld [tilespmem:s16+$0xFFFFFFF0]  }
0x89: {  	v7 =	vld [tilespmem:s28+$0xFFFFFFF0]  }
0x8a: {  	v41 =	vadd.bf16 v1, v6;
	v42 =	vmul.bf16 v5, v4;
	v3 =	vld [tilespmem:s16+$0x0];
	v9 =	vadd.s32 $0x2710, v11  }
0x8b: {  	v43 =	vand.u32 $0xFFFF0000, v0;
	v44 =	vshll.u32 v0, $0x10;
	v4 =	vld [tilespmem:s28+$0x0];
	v5 =	vadd.s32 $0x2710, v12  }
0x8c: {  	v14 =	vadd.s32 $0x4E20, v11;
	v45 =	vld [tilespmem:s16+$0xFFFFFFE0];
	v6 =	vadd.s32 $0x2710, v16;
	v0 =	vadd.s32 $0x4E20, v16  }
0x8d: {  	v17 =	vadd.s32 $0x4E20, v12;
	v31 =	vadd.s32 $0x2710, v10;
	v1 =	vadd.s32 $0x4E20, v10;
	v15 =	vld.idx.msk [tilespmem:v11+s26+$0x0], $0xffff  }
0x8e: {  	v18 =	vadd.s32 $0x7530, v11;
	v46 =	vadd.s32 $0x2710, v7;
	v2 =	vadd.s32 $0x4E20, v7;
	v19 =	vld.idx.msk [tilespmem:v12+s26+$0x0], $0xffff  }
0x8f: {  	v20 =	vadd.s32 $0x7530, v12;
	v47 =	vadd.s32 $0x2710, v3;
	v8 =	vadd.s32 $0x4E20, v3;
	v9 =	vld.idx.msk [tilespmem:v9+s26+$0x0], $0xffff  }
0x90: {  	v21 =	vadd.s32 $0x9C40, v11;
	v48 =	vadd.s32 $0x2710, v4;
	v13 =	vadd.s32 $0x4E20, v4;
	v5 =	vld.idx.msk [tilespmem:v5+s26+$0x0], $0xffff  }
0x91: {  	v24 =	vadd.s32 $0x9C40, v12;
	v25 =	vadd.s32 $0x2710, v45;
	v49 =	vadd.s32 $0x4E20, v45;
	v14 =	vld.idx.msk [tilespmem:v14+s26+$0x0], $0xffff  }
0x92: {  	v30 =	vadd.s32 $0xC350, v11;
	v26 =	vadd.s32 $0x7530, v16;
	v36 =	vadd.s32 $0x7530, v45;
	v28 =	vld.idx.msk [tilespmem:v17+s26+$0x0], $0xffff  }
0x93: {  	v32 =	vadd.s32 $0xC350, v12;
	v34 =	vadd.s32 $0x7530, v10;
	v22 =	vadd.s32 $0x7530, v7;
	v33 =	vld.idx.msk [tilespmem:v18+s26+$0x0], $0xffff  }
0x94: {  	v35 =	vadd.s32 $0xEA60, v11;
	v29 =	vadd.s32 $0x7530, v3;
	v18 =	vadd.s32 $0x7530, v4;
	v20 =	vld.idx.msk [tilespmem:v20+s26+$0x0], $0xffff  }
0x95: {  	v23 =	vadd.s32 $0x9C40, v45;
	v17 =	vadd.s32 $0x9C40, v16;
	v50 =	vld.idx.msk [tilespmem:v21+s26+$0x0], $0xffff;
	v21 =	vadd.s32 $0xEA60, v12  }
0x96: {  	v11 =	vadd.s32 $0x11170, v11;
	v15 =	vmul.bf16 v19, v15;
	v5 =	vmul.bf16 v5, v9;
	v9 =	vld.idx.msk [tilespmem:v24+s26+$0x0], $0xffff  }
0x97: {  	v39 =	vadd.s32 $0x9C40, v10;
	v27 =	vadd.s32 $0x9C40, v7;
	v12 =	vadd.s32 $0x11170, v12;
	v51 =	vld.idx.msk [tilespmem:v30+s26+$0x0], $0xffff  }
0x98: {  	v37 =	vadd.s32 $0x9C40, v3;
	v14 =	vmul.bf16 v28, v14;
	v5 =	vadd.bf16 v5, v15;
	v52 =	vld.idx.msk [tilespmem:v32+s26+$0x0], $0xffff  }
0x99: {  	v40 =	vadd.s32 $0x9C40, v4;
	v24 =	vadd.s32 $0xC350, v16;
	v32 =	vadd.s32 $0xC350, v45;
	v53 =	vld.idx.msk [tilespmem:v35+s26+$0x0], $0xffff  }
0x9a: {  	v28 =	vadd.s32 $0xC350, v10;
	v15 =	vmul.bf16 v20, v33;
	v5 =	vadd.bf16 v14, v5;
	v54 =	vld.idx.msk [tilespmem:v21+s26+$0x0], $0xffff  }
0x9b: {  	v19 =	vadd.s32 $0xC350, v4;
	v30 =	vadd.s32 $0xC350, v3;
	v35 =	vadd.s32 $0xC350, v7;
	v55 =	vld.idx.msk [tilespmem:v11+s26+$0x0], $0xffff  }
0x9c: {  	v21 =	vadd.s32 $0xEA60, v45;
	v9 =	vmul.bf16 v9, v50;
	v5 =	vadd.bf16 v15, v5;
	v50 =	vld.idx.msk [tilespmem:v12+s26+$0x0], $0xffff  }
0x9d: {  	v33 =	vadd.s32 $0xEA60, v16;
	v15 =	vadd.s32 $0xEA60, v7;
	v56 =	vld.idx.msk [tilespmem:v25+s26+$0x0], $0xffff;
	v25 =	vadd.s32 $0xEA60, v10  }
0x9e: {  	v20 =	vadd.s32 $0xEA60, v3;
	v12 =	vmul.bf16 v52, v51;
	v5 =	vadd.bf16 v9, v5;
	v57 =	vld.idx.msk [tilespmem:v6+s26+$0x0], $0xffff  }
0x9f: {  	v9 =	vadd.s32 $0x11170, v45;
	v6 =	vadd.s32 $0x11170, v16;
	v51 =	vld.idx.msk [tilespmem:v31+s26+$0x0], $0xffff;
	v31 =	vadd.s32 $0xEA60, v4  }
0xa0: {  	v11 =	vadd.s32 $0x11170, v10;
	v52 =	vmul.bf16 v54, v53;
	v53 =	vadd.bf16 v12, v5;
	v46 =	vld.idx.msk [tilespmem:v46+s26+$0x0], $0xffff  }
0xa1: {  	v14 =	vadd.s32 $0x11170, v3;
	v12 =	vadd.s32 $0x11170, v7;
	v5 =	vadd.s32 $0x11170, v4;
	v47 =	vld.idx.msk [tilespmem:v47+s26+$0x0], $0xffff  }
0xa2: {  	v38 =	vadd.bf16 v42, v38;
	v50 =	vmul.bf16 v50, v55;
	v52 =	vadd.bf16 v52, v53;
	v48 =	vld.idx.msk [tilespmem:v48+s26+$0x0], $0xffff  }
0xa3: {  	v43 =	vadd.f32 v44, v43;
	v44 =	vand.u32 $0xFFFF0000, v41;
	v41 =	vshll.u32 v41, $0x10;
	v42 =	vld.idx.msk [tilespmem:v45+s26+$0x0], $0xffff  }
0xa4: {  	v45 =	vmul.bf16 v57, v56;
	v50 =	vadd.bf16 v50, v52;
	v52 =	vand.u32 $0xFFFF0000, v38;
	v16 =	vld.idx.msk [tilespmem:v16+s26+$0x0], $0xffff  }
0xa5: {  	v41 =	vadd.f32 v41, v44;
	v38 =	vshll.u32 v38, $0x10;
	v10 =	vld.idx.msk [tilespmem:v10+s26+$0x0], $0xffff;
	[tilespmem:s0+$0xFFFFFFE0] =	vst v43  }
0xa6: {  	v43 =	vmul.bf16 v46, v51;
	v44 =	vand.u32 $0xFFFF0000, v50;
	v46 =	vshll.u32 v50, $0x10;
	v7 =	vld.idx.msk [tilespmem:v7+s26+$0x0], $0xffff  }
0xa7: {  	v38 =	vadd.f32 v38, v52;
	v44 =	vadd.f32 v46, v44;
	v3 =	vld.idx.msk [tilespmem:v3+s26+$0x0], $0xffff;
	[tilespmem:s0+$0xFFFFFFF0] =	vst v41  }
0xa8: {  	v41 =	vmul.bf16 v48, v47;
	s0 =	sadd.s32 $0x40, s0;
	v4 =	vld.idx.msk [tilespmem:v4+s26+$0x0], $0xffff  }
0xa9: {  	v46 =	vld.idx.msk [tilespmem:v49+s26+$0x0], $0xffff;
	[tilespmem:s0+$0x10] =	vst v44  }
0xaa: {  	v16 =	vmul.bf16 v16, v42;
	v0 =	vld.idx.msk [tilespmem:v0+s26+$0x0], $0xffff;
	[tilespmem:s1+$0x0] =	vst v38;
	s1 =	smov.u32 s0  }
0xab: {  	v1 =	vld.idx.msk [tilespmem:v1+s26+$0x0], $0xffff  }
0xac: {  	v16 =	vadd.bf16 v45, v16;
	v7 =	vmul.bf16 v7, v10;
	v2 =	vld.idx.msk [tilespmem:v2+s26+$0x0], $0xffff  }
0xad: {  	v8 =	vld.idx.msk [tilespmem:v8+s26+$0x0], $0xffff  }
0xae: {  	v7 =	vadd.bf16 v43, v7;
	v3 =	vmul.bf16 v4, v3;
	v4 =	vld.idx.msk [tilespmem:v13+s26+$0x0], $0xffff  }
0xaf: {  	v10 =	vld.idx.msk [tilespmem:v36+s26+$0x0], $0xffff  }
0xb0: {  	v0 =	vmul.bf16 v0, v46;
	v3 =	vadd.bf16 v41, v3;
	v13 =	vld.idx.msk [tilespmem:v26+s26+$0x0], $0xffff  }
0xb1: {  	v26 =	vld.idx.msk [tilespmem:v34+s26+$0x0], $0xffff  }
0xb2: {  	v0 =	vadd.bf16 v0, v16;
	v1 =	vmul.bf16 v2, v1;
	v2 =	vld.idx.msk [tilespmem:v22+s26+$0x0], $0xffff  }
0xb3: {  	v16 =	vld.idx.msk [tilespmem:v29+s26+$0x0], $0xffff  }
0xb4: {  	v1 =	vadd.bf16 v1, v7;
	v4 =	vmul.bf16 v4, v8;
	v7 =	vld.idx.msk [tilespmem:v18+s26+$0x0], $0xffff  }
0xb5: {  	v8 =	vld.idx.msk [tilespmem:v23+s26+$0x0], $0xffff  }
0xb6: {  	v10 =	vmul.bf16 v13, v10;
	v3 =	vadd.bf16 v4, v3;
	v13 =	vld.idx.msk [tilespmem:v17+s26+$0x0], $0xffff  }
0xb7: {  	v4 =	vld.idx.msk [tilespmem:v39+s26+$0x0], $0xffff  }
0xb8: {  	v0 =	vadd.bf16 v10, v0;
	v2 =	vmul.bf16 v2, v26;
	v10 =	vld.idx.msk [tilespmem:v27+s26+$0x0], $0xffff  }
0xb9: {  	v17 =	vld.idx.msk [tilespmem:v37+s26+$0x0], $0xffff  }
0xba: {  	v1 =	vadd.bf16 v2, v1;
	v2 =	vmul.bf16 v7, v16;
	v7 =	vld.idx.msk [tilespmem:v40+s26+$0x0], $0xffff  }
0xbb: {  	v16 =	vld.idx.msk [tilespmem:v32+s26+$0x0], $0xffff  }
0xbc: {  	v8 =	vmul.bf16 v13, v8;
	v2 =	vadd.bf16 v2, v3;
	v13 =	vld.idx.msk [tilespmem:v24+s26+$0x0], $0xffff  }
0xbd: {  	v3 =	vld.idx.msk [tilespmem:v28+s26+$0x0], $0xffff  }
0xbe: {  	v0 =	vadd.bf16 v8, v0;
	v4 =	vmul.bf16 v10, v4;
	v8 =	vld.idx.msk [tilespmem:v35+s26+$0x0], $0xffff  }
0xbf: {  	v10 =	vld.idx.msk [tilespmem:v30+s26+$0x0], $0xffff  }
0xc0: {  	v1 =	vadd.bf16 v4, v1;
	v4 =	vmul.bf16 v7, v17;
	v7 =	vld.idx.msk [tilespmem:v19+s26+$0x0], $0xffff  }
0xc1: {  	v17 =	vld.idx.msk [tilespmem:v21+s26+$0x0], $0xffff  }
0xc2: {  	v13 =	vmul.bf16 v13, v16;
	v4 =	vadd.bf16 v4, v2;
	v16 =	vld.idx.msk [tilespmem:v33+s26+$0x0], $0xffff  }
0xc3: {  	v18 =	vld.idx.msk [tilespmem:v25+s26+$0x0], $0xffff  }
0xc4: {  	v13 =	vadd.bf16 v13, v0;
	v0 =	vmul.bf16 v8, v3;
	v3 =	vld.idx.msk [tilespmem:v15+s26+$0x0], $0xffff  }
0xc5: {  	v15 =	vld.idx.msk [tilespmem:v20+s26+$0x0], $0xffff  }
0xc6: {  	v19 =	vadd.bf16 v0, v1;
	v1 =	vmul.bf16 v7, v10;
	v10 =	vld.idx.msk [tilespmem:v31+s26+$0x0], $0xffff  }
0xc7: {  	v0 =	vld.idx.msk [tilespmem:v9+s26+$0x0], $0xffff  }
.Ltmp5:
0xc8: {  	v8 =	vmul.bf16 v16, v17;
	v7 =	vadd.bf16 v1, v4;
	v2 =	vld.idx.msk [tilespmem:v6+s26+$0x0], $0xffff;
	(pc) =	sbr.rel @p2 .LBB2_3-.Ltmp5, $4  }
0xc9: {  	v1 =	vld.idx.msk [tilespmem:v11+s26+$0x0], $0xffff  }
0xca: {  	v8 =	vadd.bf16 v8, v13;
	v6 =	vmul.bf16 v3, v18;
	v3 =	vld.idx.msk [tilespmem:v12+s26+$0x0], $0xffff  }
0xcb: {  	v4 =	vld.idx.msk [tilespmem:v14+s26+$0x0], $0xffff  }
0xcc: {  	s16 =	sadd.s32 $0x40, s16;
	v6 =	vadd.bf16 v6, v19;
	v9 =	vmul.bf16 v10, v15;
	v5 =	vld.idx.msk [tilespmem:v5+s26+$0x0], $0xffff  }
0xcd: {  	_ =	sdelay $0x1  }
0xce: {  	v0 =	vmul.bf16 v2, v0  }
0xcf: {  	v1 =	vmul.bf16 v3, v1  }
0xd0: {  	v58 =	vadd.bf16 v9, v7;
	v0 =	vadd.bf16 v0, v8;
	v59 =	vmul.bf16 v5, v4  }
0xd1: {  	v1 =	vadd.bf16 v1, v6  }
0xd2: {  	v60 =	vand.u32 $0xFFFF0000, v0;
	v0 =	vshll.u32 v0, $0x10;
	v2 =	vadd.bf16 v59, v58  }
0xd3: {  	v0 =	vadd.f32 v0, v60;
	v61 =	vand.u32 $0xFFFF0000, v1;
	v1 =	vshll.u32 v1, $0x10  }
0xd4: {  	v1 =	vadd.f32 v1, v61;
	v62 =	vand.u32 $0xFFFF0000, v2;
	v2 =	vshll.u32 v2, $0x10  }
0xd5: {  	[tilespmem:s0+$0xFFFFFFE0] =	vst v0;
	v63 =	vadd.f32 v2, v62  }
0xd6: {  	[tilespmem:s0+$0xFFFFFFF0] =	vst v1  }
0xd7: {  	[tilespmem:s1+$0x0] =	vst v63  }
.LBB2_5:
0xd8: {  	s0 =	sshra.s32 s26, $0x2  }
0xd9: {  	s1 =	sadd.s32 s0, s30  }
0xda: {  	s28 =	sadd.s32 s0, s31;
	v0 =	vld [tilespmem:s1+$0x0]  }
0xdb: {  	v1 =	vld [tilespmem:s28+$0x0];
	_ =	sdelay $0x3  }
0xdc: {  	v2 =	vadd.s32 $0x2710, v0  }
0xdd: {  	v3 =	vadd.s32 $0x2710, v1  }
0xde: {  	v4 =	vadd.s32 $0x4E20, v0  }
0xdf: {  	v6 =	vadd.s32 $0x4E20, v1;
	v5 =	vld.idx.msk [tilespmem:v0+s4+$0x0], $0xffff  }
0xe0: {  	v8 =	vadd.s32 $0x7530, v0;
	v7 =	vld.idx.msk [tilespmem:v1+s4+$0x0], $0xffff  }
0xe1: {  	v9 =	vadd.s32 $0x7530, v1;
	v2 =	vld.idx.msk [tilespmem:v2+s4+$0x0], $0xffff  }
0xe2: {  	v10 =	vadd.s32 $0x9C40, v0;
	v3 =	vld.idx.msk [tilespmem:v3+s4+$0x0], $0xffff  }
0xe3: {  	v11 =	vadd.s32 $0x9C40, v1;
	v4 =	vld.idx.msk [tilespmem:v4+s4+$0x0], $0xffff  }
0xe4: {  	v12 =	vadd.s32 $0xC350, v0;
	v6 =	vld.idx.msk [tilespmem:v6+s4+$0x0], $0xffff  }
0xe5: {  	v13 =	vadd.s32 $0xC350, v1;
	v8 =	vld.idx.msk [tilespmem:v8+s4+$0x0], $0xffff  }
0xe6: {  	v14 =	vadd.s32 $0xEA60, v0;
	v9 =	vld.idx.msk [tilespmem:v9+s4+$0x0], $0xffff  }
0xe7: {  	v57 =	vadd.s32 $0xEA60, v1;
	v56 =	vld.idx.msk [tilespmem:v10+s4+$0x0], $0xffff;
	v5 =	vmul.bf16 v7, v5;
	v2 =	vmul.bf16 v3, v2  }
0xe8: {  	v0 =	vadd.s32 $0x11170, v0;
	v58 =	vld.idx.msk [tilespmem:v11+s4+$0x0], $0xffff  }
0xe9: {  	v1 =	vadd.s32 $0x11170, v1;
	v59 =	vld.idx.msk [tilespmem:v12+s4+$0x0], $0xffff;
	v4 =	vmul.bf16 v6, v4;
	v2 =	vadd.bf16 v2, v5  }
0xea: {  	v60 =	vld.idx.msk [tilespmem:v13+s4+$0x0], $0xffff  }
0xeb: {  	v61 =	vld.idx.msk [tilespmem:v14+s4+$0x0], $0xffff;
	v8 =	vmul.bf16 v9, v8;
	v2 =	vadd.bf16 v4, v2  }
0xec: {  	v7 =	vld.idx.msk [tilespmem:v57+s4+$0x0], $0xffff  }
0xed: {  	v0 =	vld.idx.msk [tilespmem:v0+s4+$0x0], $0xffff;
	v3 =	vmul.bf16 v58, v56;
	v2 =	vadd.bf16 v8, v2  }
0xee: {  	v1 =	vld.idx.msk [tilespmem:v1+s4+$0x0], $0xffff  }
0xef: {  	v5 =	vmul.bf16 v60, v59;
	v2 =	vadd.bf16 v3, v2;
	_ =	sdelay $0x1  }
0xf0: {  	v62 =	vmul.bf16 v7, v61;
	v2 =	vadd.bf16 v5, v2;
	_ =	sdelay $0x1  }
0xf1: {  	v0 =	vmul.bf16 v1, v0;
	v63 =	vadd.bf16 v62, v2;
	_ =	sdelay $0x1  }
0xf2: {  	p2 =	sne.s32 s26, $0x40;
	v0 =	vadd.bf16 v0, v63  }
.Ltmp6:
0xf3: {  	_ = 	snop;
	(pc) =	sbr.rel @p2 .LBB2_5-.Ltmp6, $4  }
0xf4: {  	v1 =	vand.u32 $0xFFFF0000, v0;
	v0 =	vshll.u32 v0, $0x10  }
0xf5: {  	v0 =	vadd.f32 v0, v1  }
0xf6: {  	s0 =	sadd.s32 s0, s29  }
0xf7: {  	s26 =	sadd.s32 $0x40, s26;
	[tilespmem:s0+$0x0] =	vst v0  }
0xf8: {  	p2 =	slt.u32 @!p0 s25, $0x2  }
0xf9: {  	p2 =	por p0, p2  }
.Ltmp7:
0xfa: {  	_ = 	snop;
	(pc) =	sbr.rel @p2 .LBB2_8-.Ltmp7, $1  }
0xfb: {  	_ =	sdelay $0x3  }
0xfc: {  	s0 =	sadd.s32 $0x3, s24  }
0xfd: {  	_ =	swait.ge [sflag:s0], $0x1F4  }
0xfe: {  	[sflag:s0] =	ssyncset.done $0x0  }
0xff: {  	[sflag:s0] =	ssyncadd.s32 $0xFFFFFE0C  }
.LBB2_9:
0x100: {  	s0 =	sor.u32 s9, s24;
	s1 =	smul.u32 $0x3E80, s24  }
0x101: {  	s0 =	smul.u32 $0x3E80, s0;
	_ =	sdelay $0x1  }
0x102: {  	s1 =	sshrl.u32 s1, $0x2;
	s0 =	sshrl.u32 s0, $0x2  }
0x103: {  	s31 =	smul.u32 $0xFA, s25;
	s1 =	sadd.s32 $0x17700, s1;
	s0 =	sadd.s32 s0, s3  }
0x104: {  	[spmem:s0] =	stream.linear.scatter [tilespmem:s1], [sflag:$0x5], $0xFA0, $0x38;
	[tilespmem:$0x19E28] =	vst v63  }
0x105: {  	s15 =	sshll.u32 s2, $0x6;
	p2 =	seq.s32 s23, $0x14;
	_ =	swait.ge [sflag:s18], $0xFA0  }
.Ltmp8:
0x106: {  	s15 =	sor.u32 s15, s24;
	[sflag:s18] =	ssyncset.done $0x0;
	(pc) =	sbr.rel @!p2 .LBB2_10-.Ltmp8, $4  }
.Ltmp9:
0x107: {  	s1 =	sadd.s32 s13, s31;
	[sflag:s18] =	ssyncadd.s32 $0xFFFFF060;
	(pc) =	sbr.rel @p2 .LBB2_12-.Ltmp9, $4  }
0x108: {  	s15 =	sadd.s32 $0x1C03, s15;
	s1 =	sshll.u32 s1, $0x1;
	[bflag:$0x0] =	sbarrier.arrive $0xFFFF  }
0x109: {  	s0 =	sshrl.u32 s0, $0x3;
	s1 =	sadd.s32 s8, s1;
	[bflag:$0x0] =	sbarrier.arrive $0xFFFF  }
0x10a: {  	[hbm:s1], [sflag:s15] =	dma.local [spmem:s0], $0x1F4  }
0x10b: {  	_ = 	snop  }
.LBB2_14:
0x10c: {  	_ =	sfence.sel $0x180000  }
0x10d: {  	[bflag:$0x0] =	sbarrier.arrive $0xFFFF  }
0x10e: {  	_ =	strace $0x90000047  }
0x10f: {  	[bflag:$0x2] =	sbarrier.arrive $0xFFFF  }
0x110: {  	p0 =	sne.s32 s2, $0x0;
	s0 =	rddreg [dreg:$0x3]  }
0x111: {  	s0 =	sadd.s32 @!p0 $0x100000, s0  }
0x112: {  	[sflag:s0] =	ssyncadd.tile.s32 @!p0 $0x1;
	_ =	shalt  }
.Lfunc_end2:
_tile_overlayer_lowered:
.L_overlay_start_2:
0x113: {  	(tag) =	ssettag $0x2  }
0x114: {  	s0 =	rddreg [dreg:$0x0];
	s2 =	stileid.u32  }
0x115: {  	s1 =	rddreg [dreg:$0x1];
	p0 =	sne.s32 s2, $0x0  }
0x116: {  	s3 =	rddreg [dreg:$0x2];
	[bflag:$0x3] =	sbarrier.arrive $0xFFFF;
	s2 =	simm.s32 @!p0 $0x1C05  }
0x117: {  	[timem:s3], [sflag:s2] =	dma.local @!p0 [hbm:s0], s1  }
0x118: {  	s0 =	simm.s32 @!p0 $0x5  }
0x119: {  	_ =	swait.ge @!p0 [sflag:s0], s1  }
0x11a: {  	s1 =	ssub.s32 @!p0 $0x0, s1;
	[sflag:s0] =	ssyncset.done @!p0 $0x0  }
0x11b: {  	[sflag:s0] =	ssyncadd.s32 @!p0 s1  }
0x11c: {  	[bflag:$0x3] =	sbarrier.arrive $0xFFFF  }
0x11d: {  	_ =	shalt  }

</sc_bundles>
